<compile_context>
chip_gen: v7x
topology: tpu7x:2x2x1
jax: 0.10.2.dev20260603
libtpu: 0.0.44.dev20260713+nightly
codegen_flags: <defaults>
</compile_context>

<pallas_src>
import functools

import numpy as np
import jax
import jax.numpy as jnp
from jax import lax
from jax.experimental import pallas as pl
from jax.experimental.pallas import tpu as pltpu
from jax.experimental.pallas import tpu_sc as plsc

L_SPHER = 7
N_SPHER = 6
CUTOFF = 5.0
ENVELOPE_P = 6
N_COLS = L_SPHER * N_SPHER


def _jn_np(r, n):
    r = np.asarray(r, dtype=np.float64)
    j0 = np.sin(r) / r
    if n == 0:
        return j0
    j1 = np.sin(r) / r**2 - np.cos(r) / r
    jm, jc = j0, j1
    for l in range(1, n):
        jm, jc = jc, (2 * l + 1) / r * jc - jm
    return jc


def _bisect(f, a, b, iters=100):
    fa = f(a)
    for _ in range(iters):
        m = 0.5 * (a + b)
        fm = f(m)
        if fa * fm <= 0:
            b = m
        else:
            a, fa = m, fm
    return 0.5 * (a + b)


def _jn_zeros(n, k):
    zerosj = np.zeros((n, k))
    zerosj[0] = np.arange(1, k + 1) * np.pi
    points = np.arange(1, k + n) * np.pi
    for i in range(1, n):
        racines = np.zeros(len(points) - 1)
        for j in range(len(points) - 1):
            racines[j] = _bisect(lambda r: _jn_np(r, i), points[j], points[j + 1])
        points = racines
        zerosj[i, :k] = racines[:k]
    return zerosj


_ZEROS = _jn_zeros(L_SPHER, N_SPHER)
_NORM = np.zeros((L_SPHER, N_SPHER))
for _l in range(L_SPHER):
    for _n in range(N_SPHER):
        _NORM[_l, _n] = 1.0 / np.sqrt(0.5 * _jn_np(_ZEROS[_l, _n], _l + 1) ** 2)

_ZARG_ROW = np.float32(
    np.asarray(_ZEROS, np.float32) * np.float32(0.2)
).reshape(1, N_COLS)
_NORM_ROW = np.asarray(_NORM, np.float32).reshape(1, N_COLS)


def _sc_gather(d, idx):
    info = plsc.get_sparse_core_info()
    nw = info.num_cores * info.num_subcores
    b = idx.shape[0]
    bpw = b // nw
    mesh = plsc.VectorSubcoreMesh(core_axis_name="c", subcore_axis_name="s")

    @functools.partial(
        pl.kernel,
        out_type=jax.ShapeDtypeStruct((b,), jnp.float32),
        mesh=mesh,
        scratch_types=[
            pltpu.VMEM((bpw,), jnp.int32),
            pltpu.VMEM((bpw,), jnp.float32),
            pltpu.SemaphoreType.DMA,
        ],
    )
    def gat(d_hbm, idx_hbm, out_hbm, idx_v, rows_v, sem):
        wid = lax.axis_index("s") * info.num_cores + lax.axis_index("c")
        base = wid * bpw
        pltpu.sync_copy(idx_hbm.at[pl.ds(base, bpw)], idx_v)
        pltpu.async_copy(d_hbm.at[idx_v], rows_v, sem).wait()
        pltpu.sync_copy(rows_v, out_hbm.at[pl.ds(base, bpw)])

    return gat(d, idx)


_Z56 = np.ones((8 * L_SPHER, 1), np.float32)
_N56 = np.ones((8 * L_SPHER, 1), np.float32)
for _l in range(L_SPHER):
    _Z56[8 * _l : 8 * _l + N_SPHER, 0] = _ZARG_ROW[0, 6 * _l : 6 * _l + N_SPHER]
    _N56[8 * _l : 8 * _l + N_SPHER, 0] = _NORM_ROW[0, 6 * _l : 6 * _l + N_SPHER]
_CBF_L = [float(0.5 / np.sqrt(np.pi))] + [
    float(np.sqrt((2 * l + 1) / (4.0 * np.pi))) for l in range(1, L_SPHER)
]


def _tc_body(dg_ref, ang_ref, z56_ref, n56_ref, out_ref):
    d = dg_ref[...]
    ang = ang_ref[...]

    ds = d * np.float32(0.2)
    ds2 = ds * ds
    ds4 = ds2 * ds2
    ds6 = ds2 * ds4
    ds7 = (ds * ds2) * ds4
    ds8 = ds4 * ds4
    u = (1 - 28.0 * ds6 + 48.0 * ds7) - 21.0 * ds8

    ca = jnp.cos(ang)
    g = [None] * L_SPHER
    g[0] = np.float32(_CBF_L[0]) * u
    p0 = jnp.ones_like(ca)
    p1 = ca
    g[1] = (np.float32(_CBF_L[1]) * p1) * u
    for ll in range(1, L_SPHER - 1):
        p0, p1 = p1, ((2 * ll + 1) * ca * p1 - ll * p0) / (ll + 1)
        g[ll + 1] = (np.float32(_CBF_L[ll + 1]) * p1) * u

    z56 = z56_ref[...]
    n56 = n56_ref[...]
    for l in range(L_SPHER):
        z = z56[8 * l : 8 * l + N_SPHER]
        x = z * d
        s = jnp.sin(x)
        j0 = s / x
        if l == 0:
            jc = j0
        else:
            c = jnp.cos(x)
            j1 = s / (x * x) - c / x
            jm, jc = j0, j1
            for ll in range(1, l):
                jm, jc = jc, (2 * ll + 1) / x * jc - jm
        piece = (n56[8 * l : 8 * l + N_SPHER] * jc) * g[l]
        out_ref[pl.ds(6 * l, N_SPHER), :] = piece


_EB = 3200


def _tc_body2(dg_ref, ang_ref, z56_ref, n56_ref, prev_ref, out_ref):
    del prev_ref
    _tc_body(dg_ref, ang_ref, z56_ref, n56_ref, out_ref)


def _tc_piece(dg_half, angles_half, n_total, block_off, prev=None):
    h = dg_half.shape[0]
    grid = h // _EB
    col_spec = pl.BlockSpec((8 * L_SPHER, 1), lambda i: (0, 0))
    in_specs = [
        pl.BlockSpec((1, _EB), lambda i: (0, i)),
        pl.BlockSpec((1, _EB), lambda i: (0, i)),
        col_spec,
        col_spec,
    ]
    args = [
        dg_half.reshape(1, h),
        angles_half.reshape(1, h),
        jnp.asarray(_Z56),
        jnp.asarray(_N56),
    ]
    kwargs = {}
    if prev is None:
        body = _tc_body
    else:
        body = _tc_body2
        in_specs.append(pl.BlockSpec(memory_space=pl.ANY))
        args.append(prev)
        kwargs["input_output_aliases"] = {4: 0}
    return pl.pallas_call(
        body,
        grid=(grid,),
        in_specs=in_specs,
        out_specs=pl.BlockSpec(
            (N_COLS, _EB), lambda i, _o=block_off: (0, i + _o)
        ),
        out_shape=jax.ShapeDtypeStruct((N_COLS, n_total), jnp.float32),
        **kwargs,
    )(*args)


_N_PIECES = 2


def kernel(d, angles, kj_idx):
    n = kj_idx.shape[0]
    h = n // _N_PIECES
    dgs = [_sc_gather(d, kj_idx[i * h : (i + 1) * h]) for i in range(_N_PIECES)]
    out = None
    for i in range(_N_PIECES):
        out = _tc_piece(
            dgs[i], angles[i * h : (i + 1) * h], n, i * (h // _EB), prev=out
        )
    return out.T

# --- scband reference (transcript-rebuilt; emitter-appended) ---
"""Pipeline reference for scband-dime-net-spherical-basis-65481071394972 (READ-ONLY COPY).

The authoritative reference and input builder live on the scoring server;
editing this copy changes nothing except your own understanding.
"""

import jax, jax.numpy as jnp
import numpy as np

L_SPHER = 7
N_SPHER = 6
CUTOFF = 5.0
ENVELOPE_P = 6
N_EDGES = 1600000
N_ANGLES = 1600000

def _jn_np(r, n):
    r = np.asarray(r, dtype=np.float64)
    j0 = np.sin(r) / r
    if n == 0:
        return j0
    j1 = np.sin(r) / r**2 - np.cos(r) / r
    jm, jc = j0, j1
    for l in range(1, n):
        jm, jc = jc, (2 * l + 1) / r * jc - jm
    return jc

def _bisect(f, a, b, iters=100):
    fa = f(a)
    for _ in range(iters):
        m = 0.5 * (a + b)
        fm = f(m)
        if fa * fm <= 0:
            b = m
        else:
            a, fa = m, fm
    return 0.5 * (a + b)

def _jn_zeros(n, k):
    zerosj = np.zeros((n, k))
    zerosj[0] = np.arange(1, k + 1) * np.pi
    points = np.arange(1, k + n) * np.pi
    for i in range(1, n):
        racines = np.zeros(len(points) - 1)
        for j in range(len(points) - 1):
            racines[j] = _bisect(lambda r: _jn_np(r, i), points[j], points[j + 1])
        points = racines
        zerosj[i, :k] = racines[:k]
    return zerosj

_ZEROS = _jn_zeros(L_SPHER, N_SPHER)
_NORM = np.zeros((L_SPHER, N_SPHER))
for _l in range(L_SPHER):
    for _n in range(N_SPHER):
        _NORM[_l, _n] = 1.0 / np.sqrt(0.5 * _jn_np(_ZEROS[_l, _n], _l + 1) ** 2)

def _sph_bessel_j(x, l):
    j0 = jnp.sin(x) / x
    if l == 0:
        return j0
    j1 = jnp.sin(x) / x**2 - jnp.cos(x) / x
    jm, jc = j0, j1
    for ll in range(1, l):
        jm, jc = jc, (2 * ll + 1) / x * jc - jm
    return jc

def _legendre(x, l):
    p0 = jnp.ones_like(x)
    if l == 0:
        return p0
    p1 = x
    for ll in range(1, l):
        p0, p1 = p1, ((2 * ll + 1) * x * p1 - ll * p0) / (ll + 1)
    return p1

def _envelope(d, p):
    return 1 - (p + 1) * (p + 2) / 2 * d**p + p * (p + 2) * d ** (p + 1) - p * (p + 1) / 2 * d ** (p + 2)

def setup_inputs(seed: int = 0):
    key = jax.random.key(seed)
    k1, k2, k3 = jax.random.split(key, 3)
    d = jax.random.uniform(k1, (N_EDGES,), minval=0.05, maxval=CUTOFF, dtype=jnp.float32)
    angles = jax.random.uniform(k2, (N_ANGLES,), minval=0.0, maxval=float(np.pi), dtype=jnp.float32)
    kj_idx = jax.random.randint(k3, (N_ANGLES,), 0, N_EDGES, dtype=jnp.int32)
    return {"d": d, "angles": angles, "kj_idx": kj_idx}

def reference(d, angles, kj_idx):
    d_scaled = d / CUTOFF
    rbf_cols = []
    for l in range(L_SPHER):
        for n in range(N_SPHER):
            rbf_cols.append(float(_NORM[l, n]) * _sph_bessel_j(float(_ZEROS[l, n]) * d_scaled, l))
    rbf = jnp.stack(rbf_cols, axis=1)
    u = _envelope(d_scaled, ENVELOPE_P)
    rbf_env = u[:, None] * rbf
    rbf_env = rbf_env[kj_idx]
    cbf_cols = []
    for l in range(L_SPHER):
        if l == 0:
            cbf_cols.append(jnp.zeros_like(angles) + float(0.5 / np.sqrt(np.pi)))
        else:
            cbf_cols.append(float(np.sqrt((2 * l + 1) / (4.0 * np.pi))) * _legendre(jnp.cos(angles), l))
    cbf = jnp.stack(cbf_cols, axis=1)
    cbf = jnp.repeat(cbf, N_SPHER, axis=1)
    return rbf_env * cbf

if __name__ == "__main__":
    import jax
    _d = setup_inputs()
    print(jax.jit(kernel)(*tuple(_d.values())))

</pallas_src>

<mosaic_0001>
#map = affine_map<(d0, d1) -> (0)>
module attributes {stable_mosaic.version = 14 : i64} {
  func.func @gat(%arg0: i32, %arg1: i32, %arg2: memref<1600000xf32, #tpu.memory_space<hbm>>, %arg3: memref<800000xi32, #tpu.memory_space<hbm>>, %arg4: memref<800000xf32, #tpu.memory_space<hbm>>, %arg5: memref<25000xi32, #tpu.memory_space<vmem>>, %arg6: memref<25000xf32, #tpu.memory_space<vmem>>, %arg7: memref<!tpu.dma_semaphore, #tpu.memory_space<semaphore_mem>>) attributes {dimension_semantics = [#tpu.dimension_semantics<core_parallel>, #tpu.dimension_semantics<subcore_parallel>], iteration_bounds = array<i64: 2, 16>, scalar_prefetch = 0 : i64, scratch_operands = 3 : i64, tpu.core_type = #tpu.core_type<sc_vector_subcore>, window_params = [{transform_indices = #map}, {transform_indices = #map}, {transform_indices = #map}]} {
    %mul3A = arith.constant 2 : i32
    %mul3A_0 = arith.muli %arg1, %mul3A : i32
    %add3A = arith.addi %mul3A_0, %arg0 : i32
    %mul3A_1 = arith.constant 25000 : i32
    %mul3A_2 = arith.muli %add3A, %mul3A_1 : i32
    "tpu.region"() ({
      %run_scoped3A = tpu.sem_alloc : memref<!tpu.dma_semaphore, #tpu.memory_space<semaphore_mem>>
      %dma_start3A_5 = tpu.memref_slice %arg3[%mul3A_2] : memref<800000xi32, #tpu.memory_space<hbm>> -> memref<25000xi32, #tpu.memory_space<hbm>>
      %dma_start3A_6 = tpu.memref_slice %arg3[%mul3A_2] : memref<800000xi32, #tpu.memory_space<hbm>> -> memref<25000xi32, #tpu.memory_space<hbm>>
      tpu.enqueue_dma source(%dma_start3A_6 : memref<25000xi32, #tpu.memory_space<hbm>>) target(%arg5 : memref<25000xi32, #tpu.memory_space<vmem>>) target_semaphore(%run_scoped3A : memref<!tpu.dma_semaphore, #tpu.memory_space<semaphore_mem>>)
      %dma_wait3A_7 = tpu.memref_slice %arg3[%mul3A_2] : memref<800000xi32, #tpu.memory_space<hbm>> -> memref<25000xi32, #tpu.memory_space<hbm>>
      %dma_wait3A_8 = tpu.memref_slice %arg3[%mul3A_2] : memref<800000xi32, #tpu.memory_space<hbm>> -> memref<25000xi32, #tpu.memory_space<hbm>>
      tpu.wait_dma2 semaphore(%run_scoped3A : memref<!tpu.dma_semaphore, #tpu.memory_space<semaphore_mem>>) src(%dma_wait3A_8 : memref<25000xi32, #tpu.memory_space<hbm>>) dst(%arg5 : memref<25000xi32, #tpu.memory_space<vmem>>)
      tpu.yield
    }) : () -> ()
    %dma_start3A = arith.constant 0 : i32
    %dma_start3A_3 = tpu.memref_slice %arg2[%dma_start3A] : memref<1600000xf32, #tpu.memory_space<hbm>> -> memref<1600000xf32, #tpu.memory_space<hbm>>
    tpu.enqueue_indirect_dma source(%dma_start3A_3 : memref<1600000xf32, #tpu.memory_space<hbm>>) target(%arg6 : memref<25000xf32, #tpu.memory_space<vmem>>) offsets(%arg5 : memref<25000xi32, #tpu.memory_space<vmem>>) semaphore(%arg7 : memref<!tpu.dma_semaphore, #tpu.memory_space<semaphore_mem>>)
    %dma_wait3A = arith.constant 0 : i32
    %dma_wait3A_4 = tpu.memref_slice %arg2[%dma_wait3A] : memref<1600000xf32, #tpu.memory_space<hbm>> -> memref<1600000xf32, #tpu.memory_space<hbm>>
    tpu.wait_indirect_dma semaphore(%arg7 : memref<!tpu.dma_semaphore, #tpu.memory_space<semaphore_mem>>) src(%dma_wait3A_4 : memref<1600000xf32, #tpu.memory_space<hbm>>) dst(%arg6 : memref<25000xf32, #tpu.memory_space<vmem>>)
    "tpu.region"() ({
      %run_scoped3A = tpu.sem_alloc : memref<!tpu.dma_semaphore, #tpu.memory_space<semaphore_mem>>
      %dma_start3A_5 = tpu.memref_slice %arg4[%mul3A_2] : memref<800000xf32, #tpu.memory_space<hbm>> -> memref<25000xf32, #tpu.memory_space<hbm>>
      %dma_start3A_6 = tpu.memref_slice %arg4[%mul3A_2] : memref<800000xf32, #tpu.memory_space<hbm>> -> memref<25000xf32, #tpu.memory_space<hbm>>
      tpu.enqueue_dma source(%arg6 : memref<25000xf32, #tpu.memory_space<vmem>>) target(%dma_start3A_6 : memref<25000xf32, #tpu.memory_space<hbm>>) target_semaphore(%run_scoped3A : memref<!tpu.dma_semaphore, #tpu.memory_space<semaphore_mem>>)
      %dma_wait3A_7 = tpu.memref_slice %arg4[%mul3A_2] : memref<800000xf32, #tpu.memory_space<hbm>> -> memref<25000xf32, #tpu.memory_space<hbm>>
      %dma_wait3A_8 = tpu.memref_slice %arg4[%mul3A_2] : memref<800000xf32, #tpu.memory_space<hbm>> -> memref<25000xf32, #tpu.memory_space<hbm>>
      tpu.wait_dma2 semaphore(%run_scoped3A : memref<!tpu.dma_semaphore, #tpu.memory_space<semaphore_mem>>) src(%arg6 : memref<25000xf32, #tpu.memory_space<vmem>>) dst(%dma_wait3A_8 : memref<25000xf32, #tpu.memory_space<hbm>>)
      tpu.yield
    }) : () -> ()
    return
  }
}

#map = affine_map<(d0, d1) -> (0)>
module attributes {stable_mosaic.version = 14 : i64} {
  func.func @gat(%arg0: i32, %arg1: i32, %arg2: memref<1600000xf32, #tpu.memory_space<hbm>>, %arg3: memref<800000xi32, #tpu.memory_space<hbm>>, %arg4: memref<800000xf32, #tpu.memory_space<hbm>>, %arg5: memref<25000xi32, #tpu.memory_space<vmem>>, %arg6: memref<25000xf32, #tpu.memory_space<vmem>>, %arg7: memref<!tpu.dma_semaphore, #tpu.memory_space<semaphore_mem>>) attributes {dimension_semantics = [#tpu.dimension_semantics<core_parallel>, #tpu.dimension_semantics<subcore_parallel>], iteration_bounds = array<i64: 2, 16>, scalar_prefetch = 0 : i64, scratch_operands = 3 : i64, tpu.core_type = #tpu.core_type<sc_vector_subcore>, window_params = [{transform_indices = #map}, {transform_indices = #map}, {transform_indices = #map}]} {
    %mul3A = arith.constant 2 : i32
    %mul3A_0 = arith.muli %arg1, %mul3A : i32
    %add3A = arith.addi %mul3A_0, %arg0 : i32
    %mul3A_1 = arith.constant 25000 : i32
    %mul3A_2 = arith.muli %add3A, %mul3A_1 : i32
    "tpu.region"() ({
      %run_scoped3A = tpu.sem_alloc : memref<!tpu.dma_semaphore, #tpu.memory_space<semaphore_mem>>
      %dma_start3A_5 = tpu.memref_slice %arg3[%mul3A_2] : memref<800000xi32, #tpu.memory_space<hbm>> -> memref<25000xi32, #tpu.memory_space<hbm>>
      %dma_start3A_6 = tpu.memref_slice %arg3[%mul3A_2] : memref<800000xi32, #tpu.memory_space<hbm>> -> memref<25000xi32, #tpu.memory_space<hbm>>
      tpu.enqueue_dma source(%dma_start3A_6 : memref<25000xi32, #tpu.memory_space<hbm>>) target(%arg5 : memref<25000xi32, #tpu.memory_space<vmem>>) target_semaphore(%run_scoped3A : memref<!tpu.dma_semaphore, #tpu.memory_space<semaphore_mem>>)
      %dma_wait3A_7 = tpu.memref_slice %arg3[%mul3A_2] : memref<800000xi32, #tpu.memory_space<hbm>> -> memref<25000xi32, #tpu.memory_space<hbm>>
      %dma_wait3A_8 = tpu.memref_slice %arg3[%mul3A_2] : memref<800000xi32, #tpu.memory_space<hbm>> -> memref<25000xi32, #tpu.memory_space<hbm>>
      tpu.wait_dma2 semaphore(%run_scoped3A : memref<!tpu.dma_semaphore, #tpu.memory_space<semaphore_mem>>) src(%dma_wait3A_8 : memref<25000xi32, #tpu.memory_space<hbm>>) dst(%arg5 : memref<25000xi32, #tpu.memory_space<vmem>>)
      tpu.yield
    }) : () -> ()
    %dma_start3A = arith.constant 0 : i32
    %dma_start3A_3 = tpu.memref_slice %arg2[%dma_start3A] : memref<1600000xf32, #tpu.memory_space<hbm>> -> memref<1600000xf32, #tpu.memory_space<hbm>>
    tpu.enqueue_indirect_dma source(%dma_start3A_3 : memref<1600000xf32, #tpu.memory_space<hbm>>) target(%arg6 : memref<25000xf32, #tpu.memory_space<vmem>>) offsets(%arg5 : memref<25000xi32, #tpu.memory_space<vmem>>) semaphore(%arg7 : memref<!tpu.dma_semaphore, #tpu.memory_space<semaphore_mem>>)
    %dma_wait3A = arith.constant 0 : i32
    %dma_wait3A_4 = tpu.memref_slice %arg2[%dma_wait3A] : memref<1600000xf32, #tpu.memory_space<hbm>> -> memref<1600000xf32, #tpu.memory_space<hbm>>
    tpu.wait_indirect_dma semaphore(%arg7 : memref<!tpu.dma_semaphore, #tpu.memory_space<semaphore_mem>>) src(%dma_wait3A_4 : memref<1600000xf32, #tpu.memory_space<hbm>>) dst(%arg6 : memref<25000xf32, #tpu.memory_space<vmem>>)
    "tpu.region"() ({
      %run_scoped3A = tpu.sem_alloc : memref<!tpu.dma_semaphore, #tpu.memory_space<semaphore_mem>>
      %dma_start3A_5 = tpu.memref_slice %arg4[%mul3A_2] : memref<800000xf32, #tpu.memory_space<hbm>> -> memref<25000xf32, #tpu.memory_space<hbm>>
      %dma_start3A_6 = tpu.memref_slice %arg4[%mul3A_2] : memref<800000xf32, #tpu.memory_space<hbm>> -> memref<25000xf32, #tpu.memory_space<hbm>>
      tpu.enqueue_dma source(%arg6 : memref<25000xf32, #tpu.memory_space<vmem>>) target(%dma_start3A_6 : memref<25000xf32, #tpu.memory_space<hbm>>) target_semaphore(%run_scoped3A : memref<!tpu.dma_semaphore, #tpu.memory_space<semaphore_mem>>)
      %dma_wait3A_7 = tpu.memref_slice %arg4[%mul3A_2] : memref<800000xf32, #tpu.memory_space<hbm>> -> memref<25000xf32, #tpu.memory_space<hbm>>
      %dma_wait3A_8 = tpu.memref_slice %arg4[%mul3A_2] : memref<800000xf32, #tpu.memory_space<hbm>> -> memref<25000xf32, #tpu.memory_space<hbm>>
      tpu.wait_dma2 semaphore(%run_scoped3A : memref<!tpu.dma_semaphore, #tpu.memory_space<semaphore_mem>>) src(%arg6 : memref<25000xf32, #tpu.memory_space<vmem>>) dst(%dma_wait3A_8 : memref<25000xf32, #tpu.memory_space<hbm>>)
      tpu.yield
    }) : () -> ()
    return
  }
}

module attributes {stable_mosaic.version = 14 : i64} {
  func.func @_tc_body(%arg0: i32, %arg1: memref<1x3200xf32, #tpu.memory_space<vmem>>, %arg2: memref<1x3200xf32, #tpu.memory_space<vmem>>, %arg3: memref<56x1xf32, #tpu.memory_space<vmem>>, %arg4: memref<56x1xf32, #tpu.memory_space<vmem>>, %arg5: memref<42x3200xf32, #tpu.memory_space<vmem>>) attributes {dimension_semantics = [#tpu.dimension_semantics<arbitrary>], iteration_bounds = array<i64: 250>, scalar_prefetch = 0 : i64, scratch_operands = 0 : i64, tpu.core_type = #tpu.core_type<tc>, window_params = [{transform_indices = @transform_0, window_bounds = array<i64: 1, 3200>}, {transform_indices = @transform_1, window_bounds = array<i64: 1, 3200>}, {pipeline_mode = #tpu.pipeline_mode<synchronous>, transform_indices = @transform_2, window_bounds = array<i64: 56, 1>}, {pipeline_mode = #tpu.pipeline_mode<synchronous>, transform_indices = @transform_3, window_bounds = array<i64: 56, 1>}, {transform_indices = @transform_4, window_bounds = array<i64: 42, 3200>}]} {
    %get3A = arith.constant 0 : index
    %get3A_0 = arith.constant 0 : index
    %get3A_1 = vector.load %arg1[%get3A, %get3A_0] : memref<1x3200xf32, #tpu.memory_space<vmem>>, vector<1x3200xf32>
    %get3A_2 = arith.constant 0 : index
    %get3A_3 = arith.constant 0 : index
    %get3A_4 = vector.load %arg2[%get3A_2, %get3A_3] : memref<1x3200xf32, #tpu.memory_space<vmem>>, vector<1x3200xf32>
    %mul3A = arith.constant 2.000000e-01 : f32
    %mul3A_5 = vector.broadcast %mul3A : f32 to vector<1x3200xf32>
    %mul3A_6 = arith.mulf %get3A_1, %mul3A_5 : vector<1x3200xf32>
    %mul3A_7 = arith.mulf %mul3A_6, %mul3A_6 : vector<1x3200xf32>
    %mul3A_8 = arith.mulf %mul3A_7, %mul3A_7 : vector<1x3200xf32>
    %mul3A_9 = arith.mulf %mul3A_7, %mul3A_8 : vector<1x3200xf32>
    %mul3A_10 = arith.mulf %mul3A_6, %mul3A_7 : vector<1x3200xf32>
    %mul3A_11 = arith.mulf %mul3A_10, %mul3A_8 : vector<1x3200xf32>
    %mul3A_12 = arith.mulf %mul3A_8, %mul3A_8 : vector<1x3200xf32>
    %mul3A_13 = arith.constant 2.800000e+01 : f32
    %mul3A_14 = vector.broadcast %mul3A_13 : f32 to vector<1x3200xf32>
    %mul3A_15 = arith.mulf %mul3A_14, %mul3A_9 : vector<1x3200xf32>
    %sub3A = arith.constant 1.000000e+00 : f32
    %sub3A_16 = vector.broadcast %sub3A : f32 to vector<1x3200xf32>
    %sub3A_17 = arith.subf %sub3A_16, %mul3A_15 : vector<1x3200xf32>
    %mul3A_18 = arith.constant 4.800000e+01 : f32
    %mul3A_19 = vector.broadcast %mul3A_18 : f32 to vector<1x3200xf32>
    %mul3A_20 = arith.mulf %mul3A_19, %mul3A_11 : vector<1x3200xf32>
    %add3A = arith.addf %sub3A_17, %mul3A_20 : vector<1x3200xf32>
    %mul3A_21 = arith.constant 2.100000e+01 : f32
    %mul3A_22 = vector.broadcast %mul3A_21 : f32 to vector<1x3200xf32>
    %mul3A_23 = arith.mulf %mul3A_22, %mul3A_12 : vector<1x3200xf32>
    %sub3A_24 = arith.subf %add3A, %mul3A_23 : vector<1x3200xf32>
    %cos3A = math.cos %get3A_4 : vector<1x3200xf32>
    %mul3A_25 = arith.constant 0.282094806 : f32
    %mul3A_26 = vector.broadcast %mul3A_25 : f32 to vector<1x3200xf32>
    %mul3A_27 = arith.mulf %mul3A_26, %sub3A_24 : vector<1x3200xf32>
    %broadcast_in_dim3A = arith.constant 1.000000e+00 : f32
    %broadcast_in_dim3A_28 = vector.broadcast %broadcast_in_dim3A : f32 to vector<1x3200xf32>
    %mul3A_29 = arith.constant 0.488602519 : f32
    %mul3A_30 = vector.broadcast %mul3A_29 : f32 to vector<1x3200xf32>
    %mul3A_31 = arith.mulf %mul3A_30, %cos3A : vector<1x3200xf32>
    %mul3A_32 = arith.mulf %mul3A_31, %sub3A_24 : vector<1x3200xf32>
    %mul3A_33 = arith.constant 3.000000e+00 : f32
    %mul3A_34 = vector.broadcast %mul3A_33 : f32 to vector<1x3200xf32>
    %mul3A_35 = arith.mulf %mul3A_34, %cos3A : vector<1x3200xf32>
    %mul3A_36 = arith.mulf %mul3A_35, %cos3A : vector<1x3200xf32>
    %mul3A_37 = arith.constant 1.000000e+00 : f32
    %mul3A_38 = vector.broadcast %mul3A_37 : f32 to vector<1x3200xf32>
    %mul3A_39 = arith.mulf %mul3A_38, %broadcast_in_dim3A_28 : vector<1x3200xf32>
    %sub3A_40 = arith.subf %mul3A_36, %mul3A_39 : vector<1x3200xf32>
    %div3A = arith.constant 2.000000e+00 : f32
    %div3A_41 = vector.broadcast %div3A : f32 to vector<1x3200xf32>
    %div3A_42 = arith.divf %sub3A_40, %div3A_41 : vector<1x3200xf32>
    %mul3A_43 = arith.constant 0.63078314 : f32
    %mul3A_44 = vector.broadcast %mul3A_43 : f32 to vector<1x3200xf32>
    %mul3A_45 = arith.mulf %mul3A_44, %div3A_42 : vector<1x3200xf32>
    %mul3A_46 = arith.mulf %mul3A_45, %sub3A_24 : vector<1x3200xf32>
    %mul3A_47 = arith.constant 5.000000e+00 : f32
    %mul3A_48 = vector.broadcast %mul3A_47 : f32 to vector<1x3200xf32>
    %mul3A_49 = arith.mulf %mul3A_48, %cos3A : vector<1x3200xf32>
    %mul3A_50 = arith.mulf %mul3A_49, %div3A_42 : vector<1x3200xf32>
    %mul3A_51 = arith.constant 2.000000e+00 : f32
    %mul3A_52 = vector.broadcast %mul3A_51 : f32 to vector<1x3200xf32>
    %mul3A_53 = arith.mulf %mul3A_52, %cos3A : vector<1x3200xf32>
    %sub3A_54 = arith.subf %mul3A_50, %mul3A_53 : vector<1x3200xf32>
    %div3A_55 = arith.constant 3.000000e+00 : f32
    %div3A_56 = vector.broadcast %div3A_55 : f32 to vector<1x3200xf32>
    %div3A_57 = arith.divf %sub3A_54, %div3A_56 : vector<1x3200xf32>
    %mul3A_58 = arith.constant 0.746352672 : f32
    %mul3A_59 = vector.broadcast %mul3A_58 : f32 to vector<1x3200xf32>
    %mul3A_60 = arith.mulf %mul3A_59, %div3A_57 : vector<1x3200xf32>
    %mul3A_61 = arith.mulf %mul3A_60, %sub3A_24 : vector<1x3200xf32>
    %mul3A_62 = arith.constant 7.000000e+00 : f32
    %mul3A_63 = vector.broadcast %mul3A_62 : f32 to vector<1x3200xf32>
    %mul3A_64 = arith.mulf %mul3A_63, %cos3A : vector<1x3200xf32>
    %mul3A_65 = arith.mulf %mul3A_64, %div3A_57 : vector<1x3200xf32>
    %mul3A_66 = arith.constant 3.000000e+00 : f32
    %mul3A_67 = vector.broadcast %mul3A_66 : f32 to vector<1x3200xf32>
    %mul3A_68 = arith.mulf %mul3A_67, %div3A_42 : vector<1x3200xf32>
    %sub3A_69 = arith.subf %mul3A_65, %mul3A_68 : vector<1x3200xf32>
    %div3A_70 = arith.constant 4.000000e+00 : f32
    %div3A_71 = vector.broadcast %div3A_70 : f32 to vector<1x3200xf32>
    %div3A_72 = arith.divf %sub3A_69, %div3A_71 : vector<1x3200xf32>
    %mul3A_73 = arith.constant 0.846284389 : f32
    %mul3A_74 = vector.broadcast %mul3A_73 : f32 to vector<1x3200xf32>
    %mul3A_75 = arith.mulf %mul3A_74, %div3A_72 : vector<1x3200xf32>
    %mul3A_76 = arith.mulf %mul3A_75, %sub3A_24 : vector<1x3200xf32>
    %mul3A_77 = arith.constant 9.000000e+00 : f32
    %mul3A_78 = vector.broadcast %mul3A_77 : f32 to vector<1x3200xf32>
    %mul3A_79 = arith.mulf %mul3A_78, %cos3A : vector<1x3200xf32>
    %mul3A_80 = arith.mulf %mul3A_79, %div3A_72 : vector<1x3200xf32>
    %mul3A_81 = arith.constant 4.000000e+00 : f32
    %mul3A_82 = vector.broadcast %mul3A_81 : f32 to vector<1x3200xf32>
    %mul3A_83 = arith.mulf %mul3A_82, %div3A_57 : vector<1x3200xf32>
    %sub3A_84 = arith.subf %mul3A_80, %mul3A_83 : vector<1x3200xf32>
    %div3A_85 = arith.constant 5.000000e+00 : f32
    %div3A_86 = vector.broadcast %div3A_85 : f32 to vector<1x3200xf32>
    %div3A_87 = arith.divf %sub3A_84, %div3A_86 : vector<1x3200xf32>
    %mul3A_88 = arith.constant 0.935602605 : f32
    %mul3A_89 = vector.broadcast %mul3A_88 : f32 to vector<1x3200xf32>
    %mul3A_90 = arith.mulf %mul3A_89, %div3A_87 : vector<1x3200xf32>
    %mul3A_91 = arith.mulf %mul3A_90, %sub3A_24 : vector<1x3200xf32>
    %mul3A_92 = arith.constant 1.100000e+01 : f32
    %mul3A_93 = vector.broadcast %mul3A_92 : f32 to vector<1x3200xf32>
    %mul3A_94 = arith.mulf %mul3A_93, %cos3A : vector<1x3200xf32>
    %mul3A_95 = arith.mulf %mul3A_94, %div3A_87 : vector<1x3200xf32>
    %mul3A_96 = arith.constant 5.000000e+00 : f32
    %mul3A_97 = vector.broadcast %mul3A_96 : f32 to vector<1x3200xf32>
    %mul3A_98 = arith.mulf %mul3A_97, %div3A_72 : vector<1x3200xf32>
    %sub3A_99 = arith.subf %mul3A_95, %mul3A_98 : vector<1x3200xf32>
    %div3A_100 = arith.constant 6.000000e+00 : f32
    %div3A_101 = vector.broadcast %div3A_100 : f32 to vector<1x3200xf32>
    %div3A_102 = arith.divf %sub3A_99, %div3A_101 : vector<1x3200xf32>
    %mul3A_103 = arith.constant 1.01710725 : f32
    %mul3A_104 = vector.broadcast %mul3A_103 : f32 to vector<1x3200xf32>
    %mul3A_105 = arith.mulf %mul3A_104, %div3A_102 : vector<1x3200xf32>
    %mul3A_106 = arith.mulf %mul3A_105, %sub3A_24 : vector<1x3200xf32>
    %get3A_107 = arith.constant 0 : index
    %get3A_108 = arith.constant 0 : index
    %get3A_109 = vector.load %arg3[%get3A_107, %get3A_108] : memref<56x1xf32, #tpu.memory_space<vmem>>, vector<56x1xf32>
    %get3A_110 = arith.constant 0 : index
    %get3A_111 = arith.constant 0 : index
    %get3A_112 = vector.load %arg4[%get3A_110, %get3A_111] : memref<56x1xf32, #tpu.memory_space<vmem>>, vector<56x1xf32>
    %slice3A = vector.extract_strided_slice %get3A_109 {offsets = [0, 0], sizes = [6, 1], strides = [1, 1]} : vector<56x1xf32> to vector<6x1xf32>
    %mul3A_113 = vector.broadcast %slice3A : vector<6x1xf32> to vector<6x3200xf32>
    %mul3A_114 = vector.broadcast %get3A_1 : vector<1x3200xf32> to vector<6x3200xf32>
    %mul3A_115 = arith.mulf %mul3A_113, %mul3A_114 : vector<6x3200xf32>
    %sin3A = math.sin %mul3A_115 : vector<6x3200xf32>
    %div3A_116 = arith.divf %sin3A, %mul3A_115 : vector<6x3200xf32>
    %slice3A_117 = vector.extract_strided_slice %get3A_112 {offsets = [0, 0], sizes = [6, 1], strides = [1, 1]} : vector<56x1xf32> to vector<6x1xf32>
    %mul3A_118 = vector.broadcast %slice3A_117 : vector<6x1xf32> to vector<6x3200xf32>
    %mul3A_119 = arith.mulf %mul3A_118, %div3A_116 : vector<6x3200xf32>
    %mul3A_120 = vector.broadcast %mul3A_27 : vector<1x3200xf32> to vector<6x3200xf32>
    %mul3A_121 = arith.mulf %mul3A_119, %mul3A_120 : vector<6x3200xf32>
    %swap3A = arith.constant 0 : index
    %swap3A_122 = arith.constant 0 : index
    %swap3A_123 = vector.load %arg5[%swap3A, %swap3A_122] : memref<42x3200xf32, #tpu.memory_space<vmem>>, vector<6x3200xf32>
    tpu.vector_store %arg5[%swap3A, %swap3A_122], %mul3A_121 {strides = array<i32>} : memref<42x3200xf32, #tpu.memory_space<vmem>>, vector<6x3200xf32>,
    %slice3A_124 = vector.extract_strided_slice %get3A_109 {offsets = [8, 0], sizes = [6, 1], strides = [1, 1]} : vector<56x1xf32> to vector<6x1xf32>
    %mul3A_125 = vector.broadcast %slice3A_124 : vector<6x1xf32> to vector<6x3200xf32>
    %mul3A_126 = vector.broadcast %get3A_1 : vector<1x3200xf32> to vector<6x3200xf32>
    %mul3A_127 = arith.mulf %mul3A_125, %mul3A_126 : vector<6x3200xf32>
    %sin3A_128 = math.sin %mul3A_127 : vector<6x3200xf32>
    %cos3A_129 = math.cos %mul3A_127 : vector<6x3200xf32>
    %mul3A_130 = arith.mulf %mul3A_127, %mul3A_127 : vector<6x3200xf32>
    %div3A_131 = arith.divf %sin3A_128, %mul3A_130 : vector<6x3200xf32>
    %div3A_132 = arith.divf %cos3A_129, %mul3A_127 : vector<6x3200xf32>
    %sub3A_133 = arith.subf %div3A_131, %div3A_132 : vector<6x3200xf32>
    %slice3A_134 = vector.extract_strided_slice %get3A_112 {offsets = [8, 0], sizes = [6, 1], strides = [1, 1]} : vector<56x1xf32> to vector<6x1xf32>
    %mul3A_135 = vector.broadcast %slice3A_134 : vector<6x1xf32> to vector<6x3200xf32>
    %mul3A_136 = arith.mulf %mul3A_135, %sub3A_133 : vector<6x3200xf32>
    %mul3A_137 = vector.broadcast %mul3A_32 : vector<1x3200xf32> to vector<6x3200xf32>
    %mul3A_138 = arith.mulf %mul3A_136, %mul3A_137 : vector<6x3200xf32>
    %swap3A_139 = arith.constant 6 : index
    %swap3A_140 = arith.constant 0 : index
    %swap3A_141 = vector.load %arg5[%swap3A_139, %swap3A_140] : memref<42x3200xf32, #tpu.memory_space<vmem>>, vector<6x3200xf32>
    tpu.vector_store %arg5[%swap3A_139, %swap3A_140], %mul3A_138 {strides = array<i32>} : memref<42x3200xf32, #tpu.memory_space<vmem>>, vector<6x3200xf32>,
    %slice3A_142 = vector.extract_strided_slice %get3A_109 {offsets = [16, 0], sizes = [6, 1], strides = [1, 1]} : vector<56x1xf32> to vector<6x1xf32>
    %mul3A_143 = vector.broadcast %slice3A_142 : vector<6x1xf32> to vector<6x3200xf32>
    %mul3A_144 = vector.broadcast %get3A_1 : vector<1x3200xf32> to vector<6x3200xf32>
    %mul3A_145 = arith.mulf %mul3A_143, %mul3A_144 : vector<6x3200xf32>
    %sin3A_146 = math.sin %mul3A_145 : vector<6x3200xf32>
    %div3A_147 = arith.divf %sin3A_146, %mul3A_145 : vector<6x3200xf32>
    %cos3A_148 = math.cos %mul3A_145 : vector<6x3200xf32>
    %mul3A_149 = arith.mulf %mul3A_145, %mul3A_145 : vector<6x3200xf32>
    %div3A_150 = arith.divf %sin3A_146, %mul3A_149 : vector<6x3200xf32>
    %div3A_151 = arith.divf %cos3A_148, %mul3A_145 : vector<6x3200xf32>
    %sub3A_152 = arith.subf %div3A_150, %div3A_151 : vector<6x3200xf32>
    %div3A_153 = arith.constant 3.000000e+00 : f32
    %div3A_154 = vector.broadcast %div3A_153 : f32 to vector<6x3200xf32>
    %div3A_155 = arith.divf %div3A_154, %mul3A_145 : vector<6x3200xf32>
    %mul3A_156 = arith.mulf %div3A_155, %sub3A_152 : vector<6x3200xf32>
    %sub3A_157 = arith.subf %mul3A_156, %div3A_147 : vector<6x3200xf32>
    %slice3A_158 = vector.extract_strided_slice %get3A_112 {offsets = [16, 0], sizes = [6, 1], strides = [1, 1]} : vector<56x1xf32> to vector<6x1xf32>
    %mul3A_159 = vector.broadcast %slice3A_158 : vector<6x1xf32> to vector<6x3200xf32>
    %mul3A_160 = arith.mulf %mul3A_159, %sub3A_157 : vector<6x3200xf32>
    %mul3A_161 = vector.broadcast %mul3A_46 : vector<1x3200xf32> to vector<6x3200xf32>
    %mul3A_162 = arith.mulf %mul3A_160, %mul3A_161 : vector<6x3200xf32>
    %swap3A_163 = arith.constant 12 : index
    %swap3A_164 = arith.constant 0 : index
    %swap3A_165 = vector.load %arg5[%swap3A_163, %swap3A_164] : memref<42x3200xf32, #tpu.memory_space<vmem>>, vector<6x3200xf32>
    tpu.vector_store %arg5[%swap3A_163, %swap3A_164], %mul3A_162 {strides = array<i32>} : memref<42x3200xf32, #tpu.memory_space<vmem>>, vector<6x3200xf32>,
    %slice3A_166 = vector.extract_strided_slice %get3A_109 {offsets = [24, 0], sizes = [6, 1], strides = [1, 1]} : vector<56x1xf32> to vector<6x1xf32>
    %mul3A_167 = vector.broadcast %slice3A_166 : vector<6x1xf32> to vector<6x3200xf32>
    %mul3A_168 = vector.broadcast %get3A_1 : vector<1x3200xf32> to vector<6x3200xf32>
    %mul3A_169 = arith.mulf %mul3A_167, %mul3A_168 : vector<6x3200xf32>
    %sin3A_170 = math.sin %mul3A_169 : vector<6x3200xf32>
    %div3A_171 = arith.divf %sin3A_170, %mul3A_169 : vector<6x3200xf32>
    %cos3A_172 = math.cos %mul3A_169 : vector<6x3200xf32>
    %mul3A_173 = arith.mulf %mul3A_169, %mul3A_169 : vector<6x3200xf32>
    %div3A_174 = arith.divf %sin3A_170, %mul3A_173 : vector<6x3200xf32>
    %div3A_175 = arith.divf %cos3A_172, %mul3A_169 : vector<6x3200xf32>
    %sub3A_176 = arith.subf %div3A_174, %div3A_175 : vector<6x3200xf32>
    %div3A_177 = arith.constant 3.000000e+00 : f32
    %div3A_178 = vector.broadcast %div3A_177 : f32 to vector<6x3200xf32>
    %div3A_179 = arith.divf %div3A_178, %mul3A_169 : vector<6x3200xf32>
    %mul3A_180 = arith.mulf %div3A_179, %sub3A_176 : vector<6x3200xf32>
    %sub3A_181 = arith.subf %mul3A_180, %div3A_171 : vector<6x3200xf32>
    %div3A_182 = arith.constant 5.000000e+00 : f32
    %div3A_183 = vector.broadcast %div3A_182 : f32 to vector<6x3200xf32>
    %div3A_184 = arith.divf %div3A_183, %mul3A_169 : vector<6x3200xf32>
    %mul3A_185 = arith.mulf %div3A_184, %sub3A_181 : vector<6x3200xf32>
    %sub3A_186 = arith.subf %mul3A_185, %sub3A_176 : vector<6x3200xf32>
    %slice3A_187 = vector.extract_strided_slice %get3A_112 {offsets = [24, 0], sizes = [6, 1], strides = [1, 1]} : vector<56x1xf32> to vector<6x1xf32>
    %mul3A_188 = vector.broadcast %slice3A_187 : vector<6x1xf32> to vector<6x3200xf32>
    %mul3A_189 = arith.mulf %mul3A_188, %sub3A_186 : vector<6x3200xf32>
    %mul3A_190 = vector.broadcast %mul3A_61 : vector<1x3200xf32> to vector<6x3200xf32>
    %mul3A_191 = arith.mulf %mul3A_189, %mul3A_190 : vector<6x3200xf32>
    %swap3A_192 = arith.constant 18 : index
    %swap3A_193 = arith.constant 0 : index
    %swap3A_194 = vector.load %arg5[%swap3A_192, %swap3A_193] : memref<42x3200xf32, #tpu.memory_space<vmem>>, vector<6x3200xf32>
    tpu.vector_store %arg5[%swap3A_192, %swap3A_193], %mul3A_191 {strides = array<i32>} : memref<42x3200xf32, #tpu.memory_space<vmem>>, vector<6x3200xf32>,
    %slice3A_195 = vector.extract_strided_slice %get3A_109 {offsets = [32, 0], sizes = [6, 1], strides = [1, 1]} : vector<56x1xf32> to vector<6x1xf32>
    %mul3A_196 = vector.broadcast %slice3A_195 : vector<6x1xf32> to vector<6x3200xf32>
    %mul3A_197 = vector.broadcast %get3A_1 : vector<1x3200xf32> to vector<6x3200xf32>
    %mul3A_198 = arith.mulf %mul3A_196, %mul3A_197 : vector<6x3200xf32>
    %sin3A_199 = math.sin %mul3A_198 : vector<6x3200xf32>
    %div3A_200 = arith.divf %sin3A_199, %mul3A_198 : vector<6x3200xf32>
    %cos3A_201 = math.cos %mul3A_198 : vector<6x3200xf32>
    %mul3A_202 = arith.mulf %mul3A_198, %mul3A_198 : vector<6x3200xf32>
    %div3A_203 = arith.divf %sin3A_199, %mul3A_202 : vector<6x3200xf32>
    %div3A_204 = arith.divf %cos3A_201, %mul3A_198 : vector<6x3200xf32>
    %sub3A_205 = arith.subf %div3A_203, %div3A_204 : vector<6x3200xf32>
    %div3A_206 = arith.constant 3.000000e+00 : f32
    %div3A_207 = vector.broadcast %div3A_206 : f32 to vector<6x3200xf32>
    %div3A_208 = arith.divf %div3A_207, %mul3A_198 : vector<6x3200xf32>
    %mul3A_209 = arith.mulf %div3A_208, %sub3A_205 : vector<6x3200xf32>
    %sub3A_210 = arith.subf %mul3A_209, %div3A_200 : vector<6x3200xf32>
    %div3A_211 = arith.constant 5.000000e+00 : f32
    %div3A_212 = vector.broadcast %div3A_211 : f32 to vector<6x3200xf32>
    %div3A_213 = arith.divf %div3A_212, %mul3A_198 : vector<6x3200xf32>
    %mul3A_214 = arith.mulf %div3A_213, %sub3A_210 : vector<6x3200xf32>
    %sub3A_215 = arith.subf %mul3A_214, %sub3A_205 : vector<6x3200xf32>
    %div3A_216 = arith.constant 7.000000e+00 : f32
    %div3A_217 = vector.broadcast %div3A_216 : f32 to vector<6x3200xf32>
    %div3A_218 = arith.divf %div3A_217, %mul3A_198 : vector<6x3200xf32>
    %mul3A_219 = arith.mulf %div3A_218, %sub3A_215 : vector<6x3200xf32>
    %sub3A_220 = arith.subf %mul3A_219, %sub3A_210 : vector<6x3200xf32>
    %slice3A_221 = vector.extract_strided_slice %get3A_112 {offsets = [32, 0], sizes = [6, 1], strides = [1, 1]} : vector<56x1xf32> to vector<6x1xf32>
    %mul3A_222 = vector.broadcast %slice3A_221 : vector<6x1xf32> to vector<6x3200xf32>
    %mul3A_223 = arith.mulf %mul3A_222, %sub3A_220 : vector<6x3200xf32>
    %mul3A_224 = vector.broadcast %mul3A_76 : vector<1x3200xf32> to vector<6x3200xf32>
    %mul3A_225 = arith.mulf %mul3A_223, %mul3A_224 : vector<6x3200xf32>
    %swap3A_226 = arith.constant 24 : index
    %swap3A_227 = arith.constant 0 : index
    %swap3A_228 = vector.load %arg5[%swap3A_226, %swap3A_227] : memref<42x3200xf32, #tpu.memory_space<vmem>>, vector<6x3200xf32>
    tpu.vector_store %arg5[%swap3A_226, %swap3A_227], %mul3A_225 {strides = array<i32>} : memref<42x3200xf32, #tpu.memory_space<vmem>>, vector<6x3200xf32>,
    %slice3A_229 = vector.extract_strided_slice %get3A_109 {offsets = [40, 0], sizes = [6, 1], strides = [1, 1]} : vector<56x1xf32> to vector<6x1xf32>
    %mul3A_230 = vector.broadcast %slice3A_229 : vector<6x1xf32> to vector<6x3200xf32>
    %mul3A_231 = vector.broadcast %get3A_1 : vector<1x3200xf32> to vector<6x3200xf32>
    %mul3A_232 = arith.mulf %mul3A_230, %mul3A_231 : vector<6x3200xf32>
    %sin3A_233 = math.sin %mul3A_232 : vector<6x3200xf32>
    %div3A_234 = arith.divf %sin3A_233, %mul3A_232 : vector<6x3200xf32>
    %cos3A_235 = math.cos %mul3A_232 : vector<6x3200xf32>
    %mul3A_236 = arith.mulf %mul3A_232, %mul3A_232 : vector<6x3200xf32>
    %div3A_237 = arith.divf %sin3A_233, %mul3A_236 : vector<6x3200xf32>
    %div3A_238 = arith.divf %cos3A_235, %mul3A_232 : vector<6x3200xf32>
    %sub3A_239 = arith.subf %div3A_237, %div3A_238 : vector<6x3200xf32>
    %div3A_240 = arith.constant 3.000000e+00 : f32
    %div3A_241 = vector.broadcast %div3A_240 : f32 to vector<6x3200xf32>
    %div3A_242 = arith.divf %div3A_241, %mul3A_232 : vector<6x3200xf32>
    %mul3A_243 = arith.mulf %div3A_242, %sub3A_239 : vector<6x3200xf32>
    %sub3A_244 = arith.subf %mul3A_243, %div3A_234 : vector<6x3200xf32>
    %div3A_245 = arith.constant 5.000000e+00 : f32
    %div3A_246 = vector.broadcast %div3A_245 : f32 to vector<6x3200xf32>
    %div3A_247 = arith.divf %div3A_246, %mul3A_232 : vector<6x3200xf32>
    %mul3A_248 = arith.mulf %div3A_247, %sub3A_244 : vector<6x3200xf32>
    %sub3A_249 = arith.subf %mul3A_248, %sub3A_239 : vector<6x3200xf32>
    %div3A_250 = arith.constant 7.000000e+00 : f32
    %div3A_251 = vector.broadcast %div3A_250 : f32 to vector<6x3200xf32>
    %div3A_252 = arith.divf %div3A_251, %mul3A_232 : vector<6x3200xf32>
    %mul3A_253 = arith.mulf %div3A_252, %sub3A_249 : vector<6x3200xf32>
    %sub3A_254 = arith.subf %mul3A_253, %sub3A_244 : vector<6x3200xf32>
    %div3A_255 = arith.constant 9.000000e+00 : f32
    %div3A_256 = vector.broadcast %div3A_255 : f32 to vector<6x3200xf32>
    %div3A_257 = arith.divf %div3A_256, %mul3A_232 : vector<6x3200xf32>
    %mul3A_258 = arith.mulf %div3A_257, %sub3A_254 : vector<6x3200xf32>
    %sub3A_259 = arith.subf %mul3A_258, %sub3A_249 : vector<6x3200xf32>
    %slice3A_260 = vector.extract_strided_slice %get3A_112 {offsets = [40, 0], sizes = [6, 1], strides = [1, 1]} : vector<56x1xf32> to vector<6x1xf32>
    %mul3A_261 = vector.broadcast %slice3A_260 : vector<6x1xf32> to vector<6x3200xf32>
    %mul3A_262 = arith.mulf %mul3A_261, %sub3A_259 : vector<6x3200xf32>
    %mul3A_263 = vector.broadcast %mul3A_91 : vector<1x3200xf32> to vector<6x3200xf32>
    %mul3A_264 = arith.mulf %mul3A_262, %mul3A_263 : vector<6x3200xf32>
    %swap3A_265 = arith.constant 30 : index
    %swap3A_266 = arith.constant 0 : index
    %swap3A_267 = vector.load %arg5[%swap3A_265, %swap3A_266] : memref<42x3200xf32, #tpu.memory_space<vmem>>, vector<6x3200xf32>
    tpu.vector_store %arg5[%swap3A_265, %swap3A_266], %mul3A_264 {strides = array<i32>} : memref<42x3200xf32, #tpu.memory_space<vmem>>, vector<6x3200xf32>,
    %slice3A_268 = vector.extract_strided_slice %get3A_109 {offsets = [48, 0], sizes = [6, 1], strides = [1, 1]} : vector<56x1xf32> to vector<6x1xf32>
    %mul3A_269 = vector.broadcast %slice3A_268 : vector<6x1xf32> to vector<6x3200xf32>
    %mul3A_270 = vector.broadcast %get3A_1 : vector<1x3200xf32> to vector<6x3200xf32>
    %mul3A_271 = arith.mulf %mul3A_269, %mul3A_270 : vector<6x3200xf32>
    %sin3A_272 = math.sin %mul3A_271 : vector<6x3200xf32>
    %div3A_273 = arith.divf %sin3A_272, %mul3A_271 : vector<6x3200xf32>
    %cos3A_274 = math.cos %mul3A_271 : vector<6x3200xf32>
    %mul3A_275 = arith.mulf %mul3A_271, %mul3A_271 : vector<6x3200xf32>
    %div3A_276 = arith.divf %sin3A_272, %mul3A_275 : vector<6x3200xf32>
    %div3A_277 = arith.divf %cos3A_274, %mul3A_271 : vector<6x3200xf32>
    %sub3A_278 = arith.subf %div3A_276, %div3A_277 : vector<6x3200xf32>
    %div3A_279 = arith.constant 3.000000e+00 : f32
    %div3A_280 = vector.broadcast %div3A_279 : f32 to vector<6x3200xf32>
    %div3A_281 = arith.divf %div3A_280, %mul3A_271 : vector<6x3200xf32>
    %mul3A_282 = arith.mulf %div3A_281, %sub3A_278 : vector<6x3200xf32>
    %sub3A_283 = arith.subf %mul3A_282, %div3A_273 : vector<6x3200xf32>
    %div3A_284 = arith.constant 5.000000e+00 : f32
    %div3A_285 = vector.broadcast %div3A_284 : f32 to vector<6x3200xf32>
    %div3A_286 = arith.divf %div3A_285, %mul3A_271 : vector<6x3200xf32>
    %mul3A_287 = arith.mulf %div3A_286, %sub3A_283 : vector<6x3200xf32>
    %sub3A_288 = arith.subf %mul3A_287, %sub3A_278 : vector<6x3200xf32>
    %div3A_289 = arith.constant 7.000000e+00 : f32
    %div3A_290 = vector.broadcast %div3A_289 : f32 to vector<6x3200xf32>
    %div3A_291 = arith.divf %div3A_290, %mul3A_271 : vector<6x3200xf32>
    %mul3A_292 = arith.mulf %div3A_291, %sub3A_288 : vector<6x3200xf32>
    %sub3A_293 = arith.subf %mul3A_292, %sub3A_283 : vector<6x3200xf32>
    %div3A_294 = arith.constant 9.000000e+00 : f32
    %div3A_295 = vector.broadcast %div3A_294 : f32 to vector<6x3200xf32>
    %div3A_296 = arith.divf %div3A_295, %mul3A_271 : vector<6x3200xf32>
    %mul3A_297 = arith.mulf %div3A_296, %sub3A_293 : vector<6x3200xf32>
    %sub3A_298 = arith.subf %mul3A_297, %sub3A_288 : vector<6x3200xf32>
    %div3A_299 = arith.constant 1.100000e+01 : f32
    %div3A_300 = vector.broadcast %div3A_299 : f32 to vector<6x3200xf32>
    %div3A_301 = arith.divf %div3A_300, %mul3A_271 : vector<6x3200xf32>
    %mul3A_302 = arith.mulf %div3A_301, %sub3A_298 : vector<6x3200xf32>
    %sub3A_303 = arith.subf %mul3A_302, %sub3A_293 : vector<6x3200xf32>
    %slice3A_304 = vector.extract_strided_slice %get3A_112 {offsets = [48, 0], sizes = [6, 1], strides = [1, 1]} : vector<56x1xf32> to vector<6x1xf32>
    %mul3A_305 = vector.broadcast %slice3A_304 : vector<6x1xf32> to vector<6x3200xf32>
    %mul3A_306 = arith.mulf %mul3A_305, %sub3A_303 : vector<6x3200xf32>
    %mul3A_307 = vector.broadcast %mul3A_106 : vector<1x3200xf32> to vector<6x3200xf32>
    %mul3A_308 = arith.mulf %mul3A_306, %mul3A_307 : vector<6x3200xf32>
    %swap3A_309 = arith.constant 36 : index
    %swap3A_310 = arith.constant 0 : index
    %swap3A_311 = vector.load %arg5[%swap3A_309, %swap3A_310] : memref<42x3200xf32, #tpu.memory_space<vmem>>, vector<6x3200xf32>
    tpu.vector_store %arg5[%swap3A_309, %swap3A_310], %mul3A_308 {strides = array<i32>} : memref<42x3200xf32, #tpu.memory_space<vmem>>, vector<6x3200xf32>,
    return
  }
  func.func @transform_0(%arg0: i32) -> (i32, i32) {
    %c0_i32 = arith.constant 0 : i32
    %c0_i32_0 = arith.constant 0 : i32
    return %c0_i32, %arg0 : i32, i32
  }
  func.func @transform_1(%arg0: i32) -> (i32, i32) {
    %c0_i32 = arith.constant 0 : i32
    %c0_i32_0 = arith.constant 0 : i32
    return %c0_i32, %arg0 : i32, i32
  }
  func.func @transform_2(%arg0: i32) -> (i32, i32) {
    %c0_i32 = arith.constant 0 : i32
    %c0_i32_0 = arith.constant 0 : i32
    %c0_i32_1 = arith.constant 0 : i32
    return %c0_i32, %c0_i32_0 : i32, i32
  }
  func.func @transform_3(%arg0: i32) -> (i32, i32) {
    %c0_i32 = arith.constant 0 : i32
    %c0_i32_0 = arith.constant 0 : i32
    %c0_i32_1 = arith.constant 0 : i32
    return %c0_i32, %c0_i32_0 : i32, i32
  }
  func.func @transform_4(%arg0: i32) -> (i32, i32) {
    %add3A = arith.constant 0 : i32
    %add3A_0 = arith.addi %arg0, %add3A : i32
    %c0_i32 = arith.constant 0 : i32
    %c0_i32_1 = arith.constant 0 : i32
    return %c0_i32, %add3A_0 : i32, i32
  }
}

module attributes {stable_mosaic.version = 14 : i64} {
  func.func @_tc_body2(%arg0: i32, %arg1: memref<1x3200xf32, #tpu.memory_space<vmem>>, %arg2: memref<1x3200xf32, #tpu.memory_space<vmem>>, %arg3: memref<56x1xf32, #tpu.memory_space<vmem>>, %arg4: memref<56x1xf32, #tpu.memory_space<vmem>>, %arg5: memref<42x1600000xf32, #tpu.memory_space<any>>, %arg6: memref<42x3200xf32, #tpu.memory_space<vmem>>) attributes {dimension_semantics = [#tpu.dimension_semantics<arbitrary>], iteration_bounds = array<i64: 250>, scalar_prefetch = 0 : i64, scratch_operands = 0 : i64, tpu.core_type = #tpu.core_type<tc>, window_params = [{transform_indices = @transform_0, window_bounds = array<i64: 1, 3200>}, {transform_indices = @transform_1, window_bounds = array<i64: 1, 3200>}, {pipeline_mode = #tpu.pipeline_mode<synchronous>, transform_indices = @transform_2, window_bounds = array<i64: 56, 1>}, {pipeline_mode = #tpu.pipeline_mode<synchronous>, transform_indices = @transform_3, window_bounds = array<i64: 56, 1>}, {}, {transform_indices = @transform_5, window_bounds = array<i64: 42, 3200>}]} {
    %get3A = arith.constant 0 : index
    %get3A_0 = arith.constant 0 : index
    %get3A_1 = vector.load %arg1[%get3A, %get3A_0] : memref<1x3200xf32, #tpu.memory_space<vmem>>, vector<1x3200xf32>
    %get3A_2 = arith.constant 0 : index
    %get3A_3 = arith.constant 0 : index
    %get3A_4 = vector.load %arg2[%get3A_2, %get3A_3] : memref<1x3200xf32, #tpu.memory_space<vmem>>, vector<1x3200xf32>
    %mul3A = arith.constant 2.000000e-01 : f32
    %mul3A_5 = vector.broadcast %mul3A : f32 to vector<1x3200xf32>
    %mul3A_6 = arith.mulf %get3A_1, %mul3A_5 : vector<1x3200xf32>
    %mul3A_7 = arith.mulf %mul3A_6, %mul3A_6 : vector<1x3200xf32>
    %mul3A_8 = arith.mulf %mul3A_7, %mul3A_7 : vector<1x3200xf32>
    %mul3A_9 = arith.mulf %mul3A_7, %mul3A_8 : vector<1x3200xf32>
    %mul3A_10 = arith.mulf %mul3A_6, %mul3A_7 : vector<1x3200xf32>
    %mul3A_11 = arith.mulf %mul3A_10, %mul3A_8 : vector<1x3200xf32>
    %mul3A_12 = arith.mulf %mul3A_8, %mul3A_8 : vector<1x3200xf32>
    %mul3A_13 = arith.constant 2.800000e+01 : f32
    %mul3A_14 = vector.broadcast %mul3A_13 : f32 to vector<1x3200xf32>
    %mul3A_15 = arith.mulf %mul3A_14, %mul3A_9 : vector<1x3200xf32>
    %sub3A = arith.constant 1.000000e+00 : f32
    %sub3A_16 = vector.broadcast %sub3A : f32 to vector<1x3200xf32>
    %sub3A_17 = arith.subf %sub3A_16, %mul3A_15 : vector<1x3200xf32>
    %mul3A_18 = arith.constant 4.800000e+01 : f32
    %mul3A_19 = vector.broadcast %mul3A_18 : f32 to vector<1x3200xf32>
    %mul3A_20 = arith.mulf %mul3A_19, %mul3A_11 : vector<1x3200xf32>
    %add3A = arith.addf %sub3A_17, %mul3A_20 : vector<1x3200xf32>
    %mul3A_21 = arith.constant 2.100000e+01 : f32
    %mul3A_22 = vector.broadcast %mul3A_21 : f32 to vector<1x3200xf32>
    %mul3A_23 = arith.mulf %mul3A_22, %mul3A_12 : vector<1x3200xf32>
    %sub3A_24 = arith.subf %add3A, %mul3A_23 : vector<1x3200xf32>
    %cos3A = math.cos %get3A_4 : vector<1x3200xf32>
    %mul3A_25 = arith.constant 0.282094806 : f32
    %mul3A_26 = vector.broadcast %mul3A_25 : f32 to vector<1x3200xf32>
    %mul3A_27 = arith.mulf %mul3A_26, %sub3A_24 : vector<1x3200xf32>
    %broadcast_in_dim3A = arith.constant 1.000000e+00 : f32
    %broadcast_in_dim3A_28 = vector.broadcast %broadcast_in_dim3A : f32 to vector<1x3200xf32>
    %mul3A_29 = arith.constant 0.488602519 : f32
    %mul3A_30 = vector.broadcast %mul3A_29 : f32 to vector<1x3200xf32>
    %mul3A_31 = arith.mulf %mul3A_30, %cos3A : vector<1x3200xf32>
    %mul3A_32 = arith.mulf %mul3A_31, %sub3A_24 : vector<1x3200xf32>
    %mul3A_33 = arith.constant 3.000000e+00 : f32
    %mul3A_34 = vector.broadcast %mul3A_33 : f32 to vector<1x3200xf32>
    %mul3A_35 = arith.mulf %mul3A_34, %cos3A : vector<1x3200xf32>
    %mul3A_36 = arith.mulf %mul3A_35, %cos3A : vector<1x3200xf32>
    %mul3A_37 = arith.constant 1.000000e+00 : f32
    %mul3A_38 = vector.broadcast %mul3A_37 : f32 to vector<1x3200xf32>
    %mul3A_39 = arith.mulf %mul3A_38, %broadcast_in_dim3A_28 : vector<1x3200xf32>
    %sub3A_40 = arith.subf %mul3A_36, %mul3A_39 : vector<1x3200xf32>
    %div3A = arith.constant 2.000000e+00 : f32
    %div3A_41 = vector.broadcast %div3A : f32 to vector<1x3200xf32>
    %div3A_42 = arith.divf %sub3A_40, %div3A_41 : vector<1x3200xf32>
    %mul3A_43 = arith.constant 0.63078314 : f32
    %mul3A_44 = vector.broadcast %mul3A_43 : f32 to vector<1x3200xf32>
    %mul3A_45 = arith.mulf %mul3A_44, %div3A_42 : vector<1x3200xf32>
    %mul3A_46 = arith.mulf %mul3A_45, %sub3A_24 : vector<1x3200xf32>
    %mul3A_47 = arith.constant 5.000000e+00 : f32
    %mul3A_48 = vector.broadcast %mul3A_47 : f32 to vector<1x3200xf32>
    %mul3A_49 = arith.mulf %mul3A_48, %cos3A : vector<1x3200xf32>
    %mul3A_50 = arith.mulf %mul3A_49, %div3A_42 : vector<1x3200xf32>
    %mul3A_51 = arith.constant 2.000000e+00 : f32
    %mul3A_52 = vector.broadcast %mul3A_51 : f32 to vector<1x3200xf32>
    %mul3A_53 = arith.mulf %mul3A_52, %cos3A : vector<1x3200xf32>
    %sub3A_54 = arith.subf %mul3A_50, %mul3A_53 : vector<1x3200xf32>
    %div3A_55 = arith.constant 3.000000e+00 : f32
    %div3A_56 = vector.broadcast %div3A_55 : f32 to vector<1x3200xf32>
    %div3A_57 = arith.divf %sub3A_54, %div3A_56 : vector<1x3200xf32>
    %mul3A_58 = arith.constant 0.746352672 : f32
    %mul3A_59 = vector.broadcast %mul3A_58 : f32 to vector<1x3200xf32>
    %mul3A_60 = arith.mulf %mul3A_59, %div3A_57 : vector<1x3200xf32>
    %mul3A_61 = arith.mulf %mul3A_60, %sub3A_24 : vector<1x3200xf32>
    %mul3A_62 = arith.constant 7.000000e+00 : f32
    %mul3A_63 = vector.broadcast %mul3A_62 : f32 to vector<1x3200xf32>
    %mul3A_64 = arith.mulf %mul3A_63, %cos3A : vector<1x3200xf32>
    %mul3A_65 = arith.mulf %mul3A_64, %div3A_57 : vector<1x3200xf32>
    %mul3A_66 = arith.constant 3.000000e+00 : f32
    %mul3A_67 = vector.broadcast %mul3A_66 : f32 to vector<1x3200xf32>
    %mul3A_68 = arith.mulf %mul3A_67, %div3A_42 : vector<1x3200xf32>
    %sub3A_69 = arith.subf %mul3A_65, %mul3A_68 : vector<1x3200xf32>
    %div3A_70 = arith.constant 4.000000e+00 : f32
    %div3A_71 = vector.broadcast %div3A_70 : f32 to vector<1x3200xf32>
    %div3A_72 = arith.divf %sub3A_69, %div3A_71 : vector<1x3200xf32>
    %mul3A_73 = arith.constant 0.846284389 : f32
    %mul3A_74 = vector.broadcast %mul3A_73 : f32 to vector<1x3200xf32>
    %mul3A_75 = arith.mulf %mul3A_74, %div3A_72 : vector<1x3200xf32>
    %mul3A_76 = arith.mulf %mul3A_75, %sub3A_24 : vector<1x3200xf32>
    %mul3A_77 = arith.constant 9.000000e+00 : f32
    %mul3A_78 = vector.broadcast %mul3A_77 : f32 to vector<1x3200xf32>
    %mul3A_79 = arith.mulf %mul3A_78, %cos3A : vector<1x3200xf32>
    %mul3A_80 = arith.mulf %mul3A_79, %div3A_72 : vector<1x3200xf32>
    %mul3A_81 = arith.constant 4.000000e+00 : f32
    %mul3A_82 = vector.broadcast %mul3A_81 : f32 to vector<1x3200xf32>
    %mul3A_83 = arith.mulf %mul3A_82, %div3A_57 : vector<1x3200xf32>
    %sub3A_84 = arith.subf %mul3A_80, %mul3A_83 : vector<1x3200xf32>
    %div3A_85 = arith.constant 5.000000e+00 : f32
    %div3A_86 = vector.broadcast %div3A_85 : f32 to vector<1x3200xf32>
    %div3A_87 = arith.divf %sub3A_84, %div3A_86 : vector<1x3200xf32>
    %mul3A_88 = arith.constant 0.935602605 : f32
    %mul3A_89 = vector.broadcast %mul3A_88 : f32 to vector<1x3200xf32>
    %mul3A_90 = arith.mulf %mul3A_89, %div3A_87 : vector<1x3200xf32>
    %mul3A_91 = arith.mulf %mul3A_90, %sub3A_24 : vector<1x3200xf32>
    %mul3A_92 = arith.constant 1.100000e+01 : f32
    %mul3A_93 = vector.broadcast %mul3A_92 : f32 to vector<1x3200xf32>
    %mul3A_94 = arith.mulf %mul3A_93, %cos3A : vector<1x3200xf32>
    %mul3A_95 = arith.mulf %mul3A_94, %div3A_87 : vector<1x3200xf32>
    %mul3A_96 = arith.constant 5.000000e+00 : f32
    %mul3A_97 = vector.broadcast %mul3A_96 : f32 to vector<1x3200xf32>
    %mul3A_98 = arith.mulf %mul3A_97, %div3A_72 : vector<1x3200xf32>
    %sub3A_99 = arith.subf %mul3A_95, %mul3A_98 : vector<1x3200xf32>
    %div3A_100 = arith.constant 6.000000e+00 : f32
    %div3A_101 = vector.broadcast %div3A_100 : f32 to vector<1x3200xf32>
    %div3A_102 = arith.divf %sub3A_99, %div3A_101 : vector<1x3200xf32>
    %mul3A_103 = arith.constant 1.01710725 : f32
    %mul3A_104 = vector.broadcast %mul3A_103 : f32 to vector<1x3200xf32>
    %mul3A_105 = arith.mulf %mul3A_104, %div3A_102 : vector<1x3200xf32>
    %mul3A_106 = arith.mulf %mul3A_105, %sub3A_24 : vector<1x3200xf32>
    %get3A_107 = arith.constant 0 : index
    %get3A_108 = arith.constant 0 : index
    %get3A_109 = vector.load %arg3[%get3A_107, %get3A_108] : memref<56x1xf32, #tpu.memory_space<vmem>>, vector<56x1xf32>
    %get3A_110 = arith.constant 0 : index
    %get3A_111 = arith.constant 0 : index
    %get3A_112 = vector.load %arg4[%get3A_110, %get3A_111] : memref<56x1xf32, #tpu.memory_space<vmem>>, vector<56x1xf32>
    %slice3A = vector.extract_strided_slice %get3A_109 {offsets = [0, 0], sizes = [6, 1], strides = [1, 1]} : vector<56x1xf32> to vector<6x1xf32>
    %mul3A_113 = vector.broadcast %slice3A : vector<6x1xf32> to vector<6x3200xf32>
    %mul3A_114 = vector.broadcast %get3A_1 : vector<1x3200xf32> to vector<6x3200xf32>
    %mul3A_115 = arith.mulf %mul3A_113, %mul3A_114 : vector<6x3200xf32>
    %sin3A = math.sin %mul3A_115 : vector<6x3200xf32>
    %div3A_116 = arith.divf %sin3A, %mul3A_115 : vector<6x3200xf32>
    %slice3A_117 = vector.extract_strided_slice %get3A_112 {offsets = [0, 0], sizes = [6, 1], strides = [1, 1]} : vector<56x1xf32> to vector<6x1xf32>
    %mul3A_118 = vector.broadcast %slice3A_117 : vector<6x1xf32> to vector<6x3200xf32>
    %mul3A_119 = arith.mulf %mul3A_118, %div3A_116 : vector<6x3200xf32>
    %mul3A_120 = vector.broadcast %mul3A_27 : vector<1x3200xf32> to vector<6x3200xf32>
    %mul3A_121 = arith.mulf %mul3A_119, %mul3A_120 : vector<6x3200xf32>
    %swap3A = arith.constant 0 : index
    %swap3A_122 = arith.constant 0 : index
    %swap3A_123 = vector.load %arg6[%swap3A, %swap3A_122] : memref<42x3200xf32, #tpu.memory_space<vmem>>, vector<6x3200xf32>
    tpu.vector_store %arg6[%swap3A, %swap3A_122], %mul3A_121 {strides = array<i32>} : memref<42x3200xf32, #tpu.memory_space<vmem>>, vector<6x3200xf32>,
    %slice3A_124 = vector.extract_strided_slice %get3A_109 {offsets = [8, 0], sizes = [6, 1], strides = [1, 1]} : vector<56x1xf32> to vector<6x1xf32>
    %mul3A_125 = vector.broadcast %slice3A_124 : vector<6x1xf32> to vector<6x3200xf32>
    %mul3A_126 = vector.broadcast %get3A_1 : vector<1x3200xf32> to vector<6x3200xf32>
    %mul3A_127 = arith.mulf %mul3A_125, %mul3A_126 : vector<6x3200xf32>
    %sin3A_128 = math.sin %mul3A_127 : vector<6x3200xf32>
    %cos3A_129 = math.cos %mul3A_127 : vector<6x3200xf32>
    %mul3A_130 = arith.mulf %mul3A_127, %mul3A_127 : vector<6x3200xf32>
    %div3A_131 = arith.divf %sin3A_128, %mul3A_130 : vector<6x3200xf32>
    %div3A_132 = arith.divf %cos3A_129, %mul3A_127 : vector<6x3200xf32>
    %sub3A_133 = arith.subf %div3A_131, %div3A_132 : vector<6x3200xf32>
    %slice3A_134 = vector.extract_strided_slice %get3A_112 {offsets = [8, 0], sizes = [6, 1], strides = [1, 1]} : vector<56x1xf32> to vector<6x1xf32>
    %mul3A_135 = vector.broadcast %slice3A_134 : vector<6x1xf32> to vector<6x3200xf32>
    %mul3A_136 = arith.mulf %mul3A_135, %sub3A_133 : vector<6x3200xf32>
    %mul3A_137 = vector.broadcast %mul3A_32 : vector<1x3200xf32> to vector<6x3200xf32>
    %mul3A_138 = arith.mulf %mul3A_136, %mul3A_137 : vector<6x3200xf32>
    %swap3A_139 = arith.constant 6 : index
    %swap3A_140 = arith.constant 0 : index
    %swap3A_141 = vector.load %arg6[%swap3A_139, %swap3A_140] : memref<42x3200xf32, #tpu.memory_space<vmem>>, vector<6x3200xf32>
    tpu.vector_store %arg6[%swap3A_139, %swap3A_140], %mul3A_138 {strides = array<i32>} : memref<42x3200xf32, #tpu.memory_space<vmem>>, vector<6x3200xf32>,
    %slice3A_142 = vector.extract_strided_slice %get3A_109 {offsets = [16, 0], sizes = [6, 1], strides = [1, 1]} : vector<56x1xf32> to vector<6x1xf32>
    %mul3A_143 = vector.broadcast %slice3A_142 : vector<6x1xf32> to vector<6x3200xf32>
    %mul3A_144 = vector.broadcast %get3A_1 : vector<1x3200xf32> to vector<6x3200xf32>
    %mul3A_145 = arith.mulf %mul3A_143, %mul3A_144 : vector<6x3200xf32>
    %sin3A_146 = math.sin %mul3A_145 : vector<6x3200xf32>
    %div3A_147 = arith.divf %sin3A_146, %mul3A_145 : vector<6x3200xf32>
    %cos3A_148 = math.cos %mul3A_145 : vector<6x3200xf32>
    %mul3A_149 = arith.mulf %mul3A_145, %mul3A_145 : vector<6x3200xf32>
    %div3A_150 = arith.divf %sin3A_146, %mul3A_149 : vector<6x3200xf32>
    %div3A_151 = arith.divf %cos3A_148, %mul3A_145 : vector<6x3200xf32>
    %sub3A_152 = arith.subf %div3A_150, %div3A_151 : vector<6x3200xf32>
    %div3A_153 = arith.constant 3.000000e+00 : f32
    %div3A_154 = vector.broadcast %div3A_153 : f32 to vector<6x3200xf32>
    %div3A_155 = arith.divf %div3A_154, %mul3A_145 : vector<6x3200xf32>
    %mul3A_156 = arith.mulf %div3A_155, %sub3A_152 : vector<6x3200xf32>
    %sub3A_157 = arith.subf %mul3A_156, %div3A_147 : vector<6x3200xf32>
    %slice3A_158 = vector.extract_strided_slice %get3A_112 {offsets = [16, 0], sizes = [6, 1], strides = [1, 1]} : vector<56x1xf32> to vector<6x1xf32>
    %mul3A_159 = vector.broadcast %slice3A_158 : vector<6x1xf32> to vector<6x3200xf32>
    %mul3A_160 = arith.mulf %mul3A_159, %sub3A_157 : vector<6x3200xf32>
    %mul3A_161 = vector.broadcast %mul3A_46 : vector<1x3200xf32> to vector<6x3200xf32>
    %mul3A_162 = arith.mulf %mul3A_160, %mul3A_161 : vector<6x3200xf32>
    %swap3A_163 = arith.constant 12 : index
    %swap3A_164 = arith.constant 0 : index
    %swap3A_165 = vector.load %arg6[%swap3A_163, %swap3A_164] : memref<42x3200xf32, #tpu.memory_space<vmem>>, vector<6x3200xf32>
    tpu.vector_store %arg6[%swap3A_163, %swap3A_164], %mul3A_162 {strides = array<i32>} : memref<42x3200xf32, #tpu.memory_space<vmem>>, vector<6x3200xf32>,
    %slice3A_166 = vector.extract_strided_slice %get3A_109 {offsets = [24, 0], sizes = [6, 1], strides = [1, 1]} : vector<56x1xf32> to vector<6x1xf32>
    %mul3A_167 = vector.broadcast %slice3A_166 : vector<6x1xf32> to vector<6x3200xf32>
    %mul3A_168 = vector.broadcast %get3A_1 : vector<1x3200xf32> to vector<6x3200xf32>
    %mul3A_169 = arith.mulf %mul3A_167, %mul3A_168 : vector<6x3200xf32>
    %sin3A_170 = math.sin %mul3A_169 : vector<6x3200xf32>
    %div3A_171 = arith.divf %sin3A_170, %mul3A_169 : vector<6x3200xf32>
    %cos3A_172 = math.cos %mul3A_169 : vector<6x3200xf32>
    %mul3A_173 = arith.mulf %mul3A_169, %mul3A_169 : vector<6x3200xf32>
    %div3A_174 = arith.divf %sin3A_170, %mul3A_173 : vector<6x3200xf32>
    %div3A_175 = arith.divf %cos3A_172, %mul3A_169 : vector<6x3200xf32>
    %sub3A_176 = arith.subf %div3A_174, %div3A_175 : vector<6x3200xf32>
    %div3A_177 = arith.constant 3.000000e+00 : f32
    %div3A_178 = vector.broadcast %div3A_177 : f32 to vector<6x3200xf32>
    %div3A_179 = arith.divf %div3A_178, %mul3A_169 : vector<6x3200xf32>
    %mul3A_180 = arith.mulf %div3A_179, %sub3A_176 : vector<6x3200xf32>
    %sub3A_181 = arith.subf %mul3A_180, %div3A_171 : vector<6x3200xf32>
    %div3A_182 = arith.constant 5.000000e+00 : f32
    %div3A_183 = vector.broadcast %div3A_182 : f32 to vector<6x3200xf32>
    %div3A_184 = arith.divf %div3A_183, %mul3A_169 : vector<6x3200xf32>
    %mul3A_185 = arith.mulf %div3A_184, %sub3A_181 : vector<6x3200xf32>
    %sub3A_186 = arith.subf %mul3A_185, %sub3A_176 : vector<6x3200xf32>
    %slice3A_187 = vector.extract_strided_slice %get3A_112 {offsets = [24, 0], sizes = [6, 1], strides = [1, 1]} : vector<56x1xf32> to vector<6x1xf32>
    %mul3A_188 = vector.broadcast %slice3A_187 : vector<6x1xf32> to vector<6x3200xf32>
    %mul3A_189 = arith.mulf %mul3A_188, %sub3A_186 : vector<6x3200xf32>
    %mul3A_190 = vector.broadcast %mul3A_61 : vector<1x3200xf32> to vector<6x3200xf32>
    %mul3A_191 = arith.mulf %mul3A_189, %mul3A_190 : vector<6x3200xf32>
    %swap3A_192 = arith.constant 18 : index
    %swap3A_193 = arith.constant 0 : index
    %swap3A_194 = vector.load %arg6[%swap3A_192, %swap3A_193] : memref<42x3200xf32, #tpu.memory_space<vmem>>, vector<6x3200xf32>
    tpu.vector_store %arg6[%swap3A_192, %swap3A_193], %mul3A_191 {strides = array<i32>} : memref<42x3200xf32, #tpu.memory_space<vmem>>, vector<6x3200xf32>,
    %slice3A_195 = vector.extract_strided_slice %get3A_109 {offsets = [32, 0], sizes = [6, 1], strides = [1, 1]} : vector<56x1xf32> to vector<6x1xf32>
    %mul3A_196 = vector.broadcast %slice3A_195 : vector<6x1xf32> to vector<6x3200xf32>
    %mul3A_197 = vector.broadcast %get3A_1 : vector<1x3200xf32> to vector<6x3200xf32>
    %mul3A_198 = arith.mulf %mul3A_196, %mul3A_197 : vector<6x3200xf32>
    %sin3A_199 = math.sin %mul3A_198 : vector<6x3200xf32>
    %div3A_200 = arith.divf %sin3A_199, %mul3A_198 : vector<6x3200xf32>
    %cos3A_201 = math.cos %mul3A_198 : vector<6x3200xf32>
    %mul3A_202 = arith.mulf %mul3A_198, %mul3A_198 : vector<6x3200xf32>
    %div3A_203 = arith.divf %sin3A_199, %mul3A_202 : vector<6x3200xf32>
    %div3A_204 = arith.divf %cos3A_201, %mul3A_198 : vector<6x3200xf32>
    %sub3A_205 = arith.subf %div3A_203, %div3A_204 : vector<6x3200xf32>
    %div3A_206 = arith.constant 3.000000e+00 : f32
    %div3A_207 = vector.broadcast %div3A_206 : f32 to vector<6x3200xf32>
    %div3A_208 = arith.divf %div3A_207, %mul3A_198 : vector<6x3200xf32>
    %mul3A_209 = arith.mulf %div3A_208, %sub3A_205 : vector<6x3200xf32>
    %sub3A_210 = arith.subf %mul3A_209, %div3A_200 : vector<6x3200xf32>
    %div3A_211 = arith.constant 5.000000e+00 : f32
    %div3A_212 = vector.broadcast %div3A_211 : f32 to vector<6x3200xf32>
    %div3A_213 = arith.divf %div3A_212, %mul3A_198 : vector<6x3200xf32>
    %mul3A_214 = arith.mulf %div3A_213, %sub3A_210 : vector<6x3200xf32>
    %sub3A_215 = arith.subf %mul3A_214, %sub3A_205 : vector<6x3200xf32>
    %div3A_216 = arith.constant 7.000000e+00 : f32
    %div3A_217 = vector.broadcast %div3A_216 : f32 to vector<6x3200xf32>
    %div3A_218 = arith.divf %div3A_217, %mul3A_198 : vector<6x3200xf32>
    %mul3A_219 = arith.mulf %div3A_218, %sub3A_215 : vector<6x3200xf32>
    %sub3A_220 = arith.subf %mul3A_219, %sub3A_210 : vector<6x3200xf32>
    %slice3A_221 = vector.extract_strided_slice %get3A_112 {offsets = [32, 0], sizes = [6, 1], strides = [1, 1]} : vector<56x1xf32> to vector<6x1xf32>
    %mul3A_222 = vector.broadcast %slice3A_221 : vector<6x1xf32> to vector<6x3200xf32>
    %mul3A_223 = arith.mulf %mul3A_222, %sub3A_220 : vector<6x3200xf32>
    %mul3A_224 = vector.broadcast %mul3A_76 : vector<1x3200xf32> to vector<6x3200xf32>
    %mul3A_225 = arith.mulf %mul3A_223, %mul3A_224 : vector<6x3200xf32>
    %swap3A_226 = arith.constant 24 : index
    %swap3A_227 = arith.constant 0 : index
    %swap3A_228 = vector.load %arg6[%swap3A_226, %swap3A_227] : memref<42x3200xf32, #tpu.memory_space<vmem>>, vector<6x3200xf32>
    tpu.vector_store %arg6[%swap3A_226, %swap3A_227], %mul3A_225 {strides = array<i32>} : memref<42x3200xf32, #tpu.memory_space<vmem>>, vector<6x3200xf32>,
    %slice3A_229 = vector.extract_strided_slice %get3A_109 {offsets = [40, 0], sizes = [6, 1], strides = [1, 1]} : vector<56x1xf32> to vector<6x1xf32>
    %mul3A_230 = vector.broadcast %slice3A_229 : vector<6x1xf32> to vector<6x3200xf32>
    %mul3A_231 = vector.broadcast %get3A_1 : vector<1x3200xf32> to vector<6x3200xf32>
    %mul3A_232 = arith.mulf %mul3A_230, %mul3A_231 : vector<6x3200xf32>
    %sin3A_233 = math.sin %mul3A_232 : vector<6x3200xf32>
    %div3A_234 = arith.divf %sin3A_233, %mul3A_232 : vector<6x3200xf32>
    %cos3A_235 = math.cos %mul3A_232 : vector<6x3200xf32>
    %mul3A_236 = arith.mulf %mul3A_232, %mul3A_232 : vector<6x3200xf32>
    %div3A_237 = arith.divf %sin3A_233, %mul3A_236 : vector<6x3200xf32>
    %div3A_238 = arith.divf %cos3A_235, %mul3A_232 : vector<6x3200xf32>
    %sub3A_239 = arith.subf %div3A_237, %div3A_238 : vector<6x3200xf32>
    %div3A_240 = arith.constant 3.000000e+00 : f32
    %div3A_241 = vector.broadcast %div3A_240 : f32 to vector<6x3200xf32>
    %div3A_242 = arith.divf %div3A_241, %mul3A_232 : vector<6x3200xf32>
    %mul3A_243 = arith.mulf %div3A_242, %sub3A_239 : vector<6x3200xf32>
    %sub3A_244 = arith.subf %mul3A_243, %div3A_234 : vector<6x3200xf32>
    %div3A_245 = arith.constant 5.000000e+00 : f32
    %div3A_246 = vector.broadcast %div3A_245 : f32 to vector<6x3200xf32>
    %div3A_247 = arith.divf %div3A_246, %mul3A_232 : vector<6x3200xf32>
    %mul3A_248 = arith.mulf %div3A_247, %sub3A_244 : vector<6x3200xf32>
    %sub3A_249 = arith.subf %mul3A_248, %sub3A_239 : vector<6x3200xf32>
    %div3A_250 = arith.constant 7.000000e+00 : f32
    %div3A_251 = vector.broadcast %div3A_250 : f32 to vector<6x3200xf32>
    %div3A_252 = arith.divf %div3A_251, %mul3A_232 : vector<6x3200xf32>
    %mul3A_253 = arith.mulf %div3A_252, %sub3A_249 : vector<6x3200xf32>
    %sub3A_254 = arith.subf %mul3A_253, %sub3A_244 : vector<6x3200xf32>
    %div3A_255 = arith.constant 9.000000e+00 : f32
    %div3A_256 = vector.broadcast %div3A_255 : f32 to vector<6x3200xf32>
    %div3A_257 = arith.divf %div3A_256, %mul3A_232 : vector<6x3200xf32>
    %mul3A_258 = arith.mulf %div3A_257, %sub3A_254 : vector<6x3200xf32>
    %sub3A_259 = arith.subf %mul3A_258, %sub3A_249 : vector<6x3200xf32>
    %slice3A_260 = vector.extract_strided_slice %get3A_112 {offsets = [40, 0], sizes = [6, 1], strides = [1, 1]} : vector<56x1xf32> to vector<6x1xf32>
    %mul3A_261 = vector.broadcast %slice3A_260 : vector<6x1xf32> to vector<6x3200xf32>
    %mul3A_262 = arith.mulf %mul3A_261, %sub3A_259 : vector<6x3200xf32>
    %mul3A_263 = vector.broadcast %mul3A_91 : vector<1x3200xf32> to vector<6x3200xf32>
    %mul3A_264 = arith.mulf %mul3A_262, %mul3A_263 : vector<6x3200xf32>
    %swap3A_265 = arith.constant 30 : index
    %swap3A_266 = arith.constant 0 : index
    %swap3A_267 = vector.load %arg6[%swap3A_265, %swap3A_266] : memref<42x3200xf32, #tpu.memory_space<vmem>>, vector<6x3200xf32>
    tpu.vector_store %arg6[%swap3A_265, %swap3A_266], %mul3A_264 {strides = array<i32>} : memref<42x3200xf32, #tpu.memory_space<vmem>>, vector<6x3200xf32>,
    %slice3A_268 = vector.extract_strided_slice %get3A_109 {offsets = [48, 0], sizes = [6, 1], strides = [1, 1]} : vector<56x1xf32> to vector<6x1xf32>
    %mul3A_269 = vector.broadcast %slice3A_268 : vector<6x1xf32> to vector<6x3200xf32>
    %mul3A_270 = vector.broadcast %get3A_1 : vector<1x3200xf32> to vector<6x3200xf32>
    %mul3A_271 = arith.mulf %mul3A_269, %mul3A_270 : vector<6x3200xf32>
    %sin3A_272 = math.sin %mul3A_271 : vector<6x3200xf32>
    %div3A_273 = arith.divf %sin3A_272, %mul3A_271 : vector<6x3200xf32>
    %cos3A_274 = math.cos %mul3A_271 : vector<6x3200xf32>
    %mul3A_275 = arith.mulf %mul3A_271, %mul3A_271 : vector<6x3200xf32>
    %div3A_276 = arith.divf %sin3A_272, %mul3A_275 : vector<6x3200xf32>
    %div3A_277 = arith.divf %cos3A_274, %mul3A_271 : vector<6x3200xf32>
    %sub3A_278 = arith.subf %div3A_276, %div3A_277 : vector<6x3200xf32>
    %div3A_279 = arith.constant 3.000000e+00 : f32
    %div3A_280 = vector.broadcast %div3A_279 : f32 to vector<6x3200xf32>
    %div3A_281 = arith.divf %div3A_280, %mul3A_271 : vector<6x3200xf32>
    %mul3A_282 = arith.mulf %div3A_281, %sub3A_278 : vector<6x3200xf32>
    %sub3A_283 = arith.subf %mul3A_282, %div3A_273 : vector<6x3200xf32>
    %div3A_284 = arith.constant 5.000000e+00 : f32
    %div3A_285 = vector.broadcast %div3A_284 : f32 to vector<6x3200xf32>
    %div3A_286 = arith.divf %div3A_285, %mul3A_271 : vector<6x3200xf32>
    %mul3A_287 = arith.mulf %div3A_286, %sub3A_283 : vector<6x3200xf32>
    %sub3A_288 = arith.subf %mul3A_287, %sub3A_278 : vector<6x3200xf32>
    %div3A_289 = arith.constant 7.000000e+00 : f32
    %div3A_290 = vector.broadcast %div3A_289 : f32 to vector<6x3200xf32>
    %div3A_291 = arith.divf %div3A_290, %mul3A_271 : vector<6x3200xf32>
    %mul3A_292 = arith.mulf %div3A_291, %sub3A_288 : vector<6x3200xf32>
    %sub3A_293 = arith.subf %mul3A_292, %sub3A_283 : vector<6x3200xf32>
    %div3A_294 = arith.constant 9.000000e+00 : f32
    %div3A_295 = vector.broadcast %div3A_294 : f32 to vector<6x3200xf32>
    %div3A_296 = arith.divf %div3A_295, %mul3A_271 : vector<6x3200xf32>
    %mul3A_297 = arith.mulf %div3A_296, %sub3A_293 : vector<6x3200xf32>
    %sub3A_298 = arith.subf %mul3A_297, %sub3A_288 : vector<6x3200xf32>
    %div3A_299 = arith.constant 1.100000e+01 : f32
    %div3A_300 = vector.broadcast %div3A_299 : f32 to vector<6x3200xf32>
    %div3A_301 = arith.divf %div3A_300, %mul3A_271 : vector<6x3200xf32>
    %mul3A_302 = arith.mulf %div3A_301, %sub3A_298 : vector<6x3200xf32>
    %sub3A_303 = arith.subf %mul3A_302, %sub3A_293 : vector<6x3200xf32>
    %slice3A_304 = vector.extract_strided_slice %get3A_112 {offsets = [48, 0], sizes = [6, 1], strides = [1, 1]} : vector<56x1xf32> to vector<6x1xf32>
    %mul3A_305 = vector.broadcast %slice3A_304 : vector<6x1xf32> to vector<6x3200xf32>
    %mul3A_306 = arith.mulf %mul3A_305, %sub3A_303 : vector<6x3200xf32>
    %mul3A_307 = vector.broadcast %mul3A_106 : vector<1x3200xf32> to vector<6x3200xf32>
    %mul3A_308 = arith.mulf %mul3A_306, %mul3A_307 : vector<6x3200xf32>
    %swap3A_309 = arith.constant 36 : index
    %swap3A_310 = arith.constant 0 : index
    %swap3A_311 = vector.load %arg6[%swap3A_309, %swap3A_310] : memref<42x3200xf32, #tpu.memory_space<vmem>>, vector<6x3200xf32>
    tpu.vector_store %arg6[%swap3A_309, %swap3A_310], %mul3A_308 {strides = array<i32>} : memref<42x3200xf32, #tpu.memory_space<vmem>>, vector<6x3200xf32>,
    return
  }
  func.func @transform_0(%arg0: i32) -> (i32, i32) {
    %c0_i32 = arith.constant 0 : i32
    %c0_i32_0 = arith.constant 0 : i32
    return %c0_i32, %arg0 : i32, i32
  }
  func.func @transform_1(%arg0: i32) -> (i32, i32) {
    %c0_i32 = arith.constant 0 : i32
    %c0_i32_0 = arith.constant 0 : i32
    return %c0_i32, %arg0 : i32, i32
  }
  func.func @transform_2(%arg0: i32) -> (i32, i32) {
    %c0_i32 = arith.constant 0 : i32
    %c0_i32_0 = arith.constant 0 : i32
    %c0_i32_1 = arith.constant 0 : i32
    return %c0_i32, %c0_i32_0 : i32, i32
  }
  func.func @transform_3(%arg0: i32) -> (i32, i32) {
    %c0_i32 = arith.constant 0 : i32
    %c0_i32_0 = arith.constant 0 : i32
    %c0_i32_1 = arith.constant 0 : i32
    return %c0_i32, %c0_i32_0 : i32, i32
  }
  func.func @transform_5(%arg0: i32) -> (i32, i32) {
    %add3A = arith.constant 250 : i32
    %add3A_0 = arith.addi %arg0, %add3A : i32
    %c0_i32 = arith.constant 0 : i32
    %c0_i32_1 = arith.constant 0 : i32
    return %c0_i32, %add3A_0 : i32, i32
  }
}

</mosaic_0001>

<sc_bundles>
// kernel: kernel.6.cloned.1.call-start
scs
__scs_entry_jumppad:
0x0: {  	(pc) =	sbr.rel $0x88, $3  }
0x1: {  	(tag) =	ssettag $0x0;
	lr =	simm.s32 $0x1  }
0x2: {  	[smem:$0x3F9E] =	sst lr;
	_ =	strace $0xD0000000  }
0x3: {  	_ = 	snop  }
0x4: {  	_ = 	snop  }
0x5: {  	_ = 	snop  }
0x6: {  	_ = 	snop  }
0x7: {  	_ = 	snop  }
__scs_overlays_trampoline_lowered:
0x8: {  	[smem:$0x3FAD] =	sst s0  }
0x9: {  	[smem:$0x3FAE] =	sst s1  }
0xa: {  	[smem:$0x3FAF] =	sst s2  }
0xb: {  	[smem:$0x3FB0] =	sst s3  }
0xc: {  	[smem:$0x3FB1] =	sst s4  }
0xd: {  	[smem:$0x3FB2] =	sst s5  }
0xe: {  	[smem:$0x3FB3] =	sst s6  }
0xf: {  	[smem:$0x3FB4] =	sst s7  }
0x10: {  	[smem:$0x3FB5] =	sst s8  }
0x11: {  	[smem:$0x3FB6] =	sst s9;
	s0 =	simm.s32 @!p0 $0x0  }
0x12: {  	s1 =	sld [smem:$0x3F9C];
	s0 =	simm.s32 @p0 $0x1  }
0x13: {  	[smem:$0x3FB7] =	sst s0;
	s0 =	simm.s32 @!p1 $0x0  }
0x14: {  	s2 =	sld [smem:$0x3F9B];
	s0 =	simm.s32 @p1 $0x1  }
0x15: {  	[smem:$0x3FB8] =	sst s0;
	s0 =	simm.s32 @!p2 $0x0  }
0x16: {  	s3 =	sld [smem:$0x3FDB];
	s0 =	simm.s32 @p2 $0x1  }
0x17: {  	s4 =	simm.s32 $0x1BF5;
	[smem:$0x3FBA] =	sst s0  }
0x18: {  	s0 =	sld [smem:$0x3F9D];
	_ =	swait.ge [sflag:s4], $0x0  }
0x19: {  	s7 =	sld [smem:$0x3F9E]  }
0x1a: {  	s8 =	sadd.s32 $0xFFFFE003, lr  }
0x1b: {  	s9 =	sadd.s32 $0xFFFFFEF7, lr;
	s5 =	simm.s32 $0xFFFFFFFF;
	p2 =	slt.u32 s8, $0xFFFFF086  }
0x1c: {  	p1 =	slt.u32 s9, $0xF7A;
	s5 =	simm.s32 @!p2 $0x0  }
0x1d: {  	s5 =	simm.s32 @p1 $0x1;
	p0 =	seq.s32 s7, s2  }
0x1e: {  	s7 =	smul.u32 @!p0 $0xF7A, s2;
	p2 =	seq.s32 @!p0 s5, $0x0  }
0x1f: {  	s9 =	smul.u32 $0xF7A, s1;
	s8 =	simm.s32 @!p0 $0x1BF5;
	p2 =	por !p2, p0  }
0x20: {  	[sflag:s8] =	ssyncset.s32 @!p0 $0xFFFFF086;
	s6 =	sadd.s32 @!p0 s3, s7;
	s7 =	simm.s32 @!p0 $0x108  }
0x21: {  	s3 =	sadd.s32 s3, s9;
	s6 =	sadd.s32 @!p0 $0x88, s6;
	s7 =	simm.s32 @p2 $0x1082  }
0x22: {  	[simem:s7], [sflag:s8] =	dma.local @!p0 [hbm:s6], $0xF7A  }
0x23: {  	s9 =	sor.u32 $0xD0000000, s2;
	s6 =	simm.s32 $0x108;
	_ =	swait.ge @!p0 [sflag:s8], $0x0  }
0x24: {  	s3 =	sadd.s32 $0x88, s3;
	s6 =	simm.s32 @!p1 $0x1082;
	[sflag:s4] =	ssyncset.s32 $0xFFFFF086  }
0x25: {  	[simem:s6], [sflag:s4] =	dma.local [hbm:s3], $0xF7A  }
0x26: {  	[smem:$0x3F9E] =	sst s1;
	(tag) =	ssettag s2;
	_ =	strace s9  }
0x27: {  	s1 =	sld [smem:$0x3FAE]  }
0x28: {  	s2 =	sld [smem:$0x3FAF]  }
0x29: {  	s4 =	sld [smem:$0x3FB1]  }
0x2a: {  	p0 =	seq.s32 s5, $0x0;
	s5 =	sld [smem:$0x3FB2]  }
0x2b: {  	s6 =	sld [smem:$0x3FB3]  }
0x2c: {  	s7 =	sld [smem:$0x3FB4]  }
0x2d: {  	s3 =	simm.s32 $0x108;
	s8 =	sld [smem:$0x3FB5]  }
0x2e: {  	s3 =	simm.s32 @!p0 $0x1082;
	s9 =	sld [smem:$0x3FB6]  }
0x2f: {  	lr =	sadd.s32 s0, s3;
	s0 =	sld [smem:$0x3FAD]  }
0x30: {  	s3 =	sld [smem:$0x3FB0]  }
0x31: {  	[smem:$0x3FB9] =	sst s10  }
0x32: {  	s10 =	sld [smem:$0x3FB7];
	_ =	sdelay $0x3  }
0x33: {  	p0 =	seq.s32 s10, $0x1;
	s10 =	sld [smem:$0x3FB9];
	_ =	sdelay $0x3  }
0x34: {  	[smem:$0x3FB9] =	sst s10  }
0x35: {  	s10 =	sld [smem:$0x3FB8];
	_ =	sdelay $0x3  }
0x36: {  	p1 =	seq.s32 s10, $0x1;
	s10 =	sld [smem:$0x3FB9];
	_ =	sdelay $0x3  }
0x37: {  	[smem:$0x3FB9] =	sst s10  }
0x38: {  	s10 =	sld [smem:$0x3FBA]  }
0x39: {  	_ = 	snop;
	(pc) =	sbr.ind lr, $3  }
0x3a: {  	_ = 	snop  }
0x3b: {  	_ = 	snop  }
0x3c: {  	p2 =	seq.s32 s10, $0x1;
	s10 =	sld [smem:$0x3FB9]  }
0x3d: {  	_ =	shalt  }
0x3e: {  	_ =	shalt  }
0x3f: {  	_ =	shalt  }
0x40: {  	_ =	shalt  }
0x41: {  	_ =	shalt  }
0x42: {  	_ =	shalt  }
0x43: {  	_ =	shalt  }
0x44: {  	_ =	shalt  }
0x45: {  	_ =	shalt  }
0x46: {  	_ =	shalt  }
0x47: {  	_ =	shalt  }
0x48: {  	_ =	shalt  }
0x49: {  	_ =	shalt  }
0x4a: {  	_ =	shalt  }
0x4b: {  	_ =	shalt  }
0x4c: {  	_ =	shalt  }
0x4d: {  	_ =	shalt  }
0x4e: {  	_ =	shalt  }
0x4f: {  	_ =	shalt  }
0x50: {  	_ =	shalt  }
0x51: {  	_ =	shalt  }
0x52: {  	_ =	shalt  }
0x53: {  	_ =	shalt  }
0x54: {  	_ =	shalt  }
0x55: {  	_ =	shalt  }
0x56: {  	_ =	shalt  }
0x57: {  	_ =	shalt  }
0x58: {  	_ =	shalt  }
0x59: {  	_ =	shalt  }
0x5a: {  	_ =	shalt  }
0x5b: {  	_ =	shalt  }
0x5c: {  	_ =	shalt  }
0x5d: {  	_ =	shalt  }
0x5e: {  	_ =	shalt  }
0x5f: {  	_ =	shalt  }
0x60: {  	_ =	shalt  }
0x61: {  	_ =	shalt  }
0x62: {  	_ =	shalt  }
0x63: {  	_ =	shalt  }
0x64: {  	_ =	shalt  }
0x65: {  	_ =	shalt  }
0x66: {  	_ =	shalt  }
0x67: {  	_ =	shalt  }
0x68: {  	_ =	shalt  }
0x69: {  	_ =	shalt  }
0x6a: {  	_ =	shalt  }
0x6b: {  	_ =	shalt  }
0x6c: {  	_ =	shalt  }
0x6d: {  	_ =	shalt  }
0x6e: {  	_ =	shalt  }
0x6f: {  	_ =	shalt  }
0x70: {  	_ =	shalt  }
0x71: {  	_ =	shalt  }
0x72: {  	_ =	shalt  }
0x73: {  	_ =	shalt  }
0x74: {  	_ =	shalt  }
0x75: {  	_ =	shalt  }
0x76: {  	_ =	shalt  }
0x77: {  	_ =	shalt  }
0x78: {  	_ =	shalt  }
0x79: {  	_ =	shalt  }
0x7a: {  	_ =	shalt  }
0x7b: {  	_ =	shalt  }
0x7c: {  	_ =	shalt  }
0x7d: {  	_ =	shalt  }
0x7e: {  	_ =	shalt  }
0x7f: {  	_ =	shalt  }
0x80: {  	_ =	shalt  }
0x81: {  	_ =	shalt  }
0x82: {  	_ =	shalt  }
0x83: {  	_ =	shalt  }
0x84: {  	_ =	shalt  }
0x85: {  	_ =	shalt  }
0x86: {  	_ =	shalt  }
0x87: {  	_ =	shalt  }
.Lfunc_end0:
.L_simem_size_0:
called_computation_lowered:
.L_overlay_start_0:
0x88: {  	s2 =	sld [smem:$0x3FD9]  }
0x89: {  	s3 =	sld [smem:$0x3FFE];
	_ =	sdelay $0x1  }
0x8a: {  	s1 =	srdreg.scid  }
0x8b: {  	s0 =	sand.u32 $0x1, s1  }
0x8c: {  	s17 =	sshll.u32 s0, $0xA;
	s2 =	sadd.s32 s3, s2  }
0x8d: {  	s2 =	sadd.s32 s2, s17  }
0x8e: {  	[smem:$0x3FC5] =	sst s2  }
0x8f: {  	_ = 	snop  }
0x90: {  	s2 =	sld [smem:$0x3FC9]  }
0x91: {  	s18 =	sld [smem:$0x3FD0];
	(tm) =	ssettm $0x1  }
0x92: {  	s4 =	sld [smem:$0x3FFB];
	_ =	sdelay $0x3  }
0x93: {  	_ =	strace s4  }
0x94: {  	s4 =	sld [smem:$0x3FFC];
	_ =	sdelay $0x3  }
0x95: {  	_ =	strace s4  }
0x96: {  	s4 =	sld [smem:$0x3FFD];
	_ =	sdelay $0x3  }
0x97: {  	_ =	strace s4  }
0x98: {  	_ =	strace $0x8FFFFFFF  }
0x99: {  	s19 =	sld [smem:$0x3FDB];
	_ =	sdelay $0x1  }
0x9a: {  	s5 =	simm.s32 $_scs_section_size  }
0x9b: {  	s6 =	simm.s32 $_size__tile_overlayer_lowered;
	s7 =	simm.s32 $_tile_overlayer_lowered  }
0x9c: {  	s22 =	simm.s32 $0x1BFF;
	s21 =	sshll.u32 s7, $0x1;
	s4 =	sadd.s32 s5, s19  }
0x9d: {  	s8 =	simm.s32 $0x0;
	s20 =	sshll.u32 s6, $0x1;
	s6 =	sadd.s32 s21, s4  }
0x9e: {  	[timem:s8], [sflag:s22] =	dma.local [hbm:s6], s20  }
0x9f: {  	_ =	swait.ge [sflag:s22], s20  }
0xa0: {  	s5 =	ssub.s32 $0x0, s20;
	[sflag:s22] =	ssyncset.done $0x0  }
0xa1: {  	[sflag:s22] =	ssyncadd.s32 s5;
	_ =	sdelay $0x1  }
0xa2: {  	s23 =	simm.s32 $0x1B8B  }
0xa3: {  	_ =	swait.ge [sflag:s23], $0x1  }
0xa4: {  	[sflag:s23] =	ssyncset.done $0x0  }
0xa5: {  	s25 =	simm.s32 $0x1B8E;
	s24 =	sld [smem:$0x3FFE];
	[sflag:s23] =	ssyncadd.s32 $0xFFFFFFFF  }
0xa6: {  	s26 =	simm.s32 $execute0_lowered;
	[smem:$0x3FD2] =	sst s25  }
0xa7: {  	s6 =	sshll.u32 s26, $0x1;
	_ =	strace $0x80000046;
	[dreg:$0x1] =	wrdreg $0xFFFFFFFF  }
0xa8: {  	s28 =	simm.s32 $_size_execute0_lowered;
	s4 =	sadd.s32 s4, s6;
	[dreg:$0x0] =	wrdreg $0x0  }
0xa9: {  	s6 =	sshll.u32 s28, $0x1;
	[dreg:$0x2] =	wrdreg s4  }
0xaa: {  	[dreg:$0x3] =	wrdreg s6  }
0xab: {  	[dreg:$0x4] =	wrdreg $0xC0  }
0xac: {  	_ =	task [dreg:s8], $0x5FFFF  }
0xad: {  	[dreg:$0x1] =	wrdreg $0xFFFFFFFF  }
0xae: {  	[dreg:$0x0] =	wrdreg $0x60  }
0xaf: {  	[dreg:$0x2] =	wrdreg s2  }
0xb0: {  	[dreg:$0x3] =	wrdreg s18  }
0xb1: {  	[dreg:$0x4] =	wrdreg s24  }
0xb2: {  	[dreg:$0x5] =	wrdreg $0x9  }
0xb3: {  	_ =	task.clear_ibuf [dreg:s8], $0x6FFFF;
	_ =	strace $0x90000046  }
0xb4: {  	s29 =	simm.s32 $0x9;
	_ =	strace $0x80000048  }
0xb5: {  	_ =	swait.ge [sflag:s29], $0x1  }
0xb6: {  	[sflag:s29] =	ssyncadd.s32 $0xFFFFFFFF  }
0xb7: {  	_ =	strace $0x90000048  }
0xb8: {  	_ =	sfence  }
0xb9: {  	s30 =	sld [smem:$0x0];
	_ =	sdelay $0x2  }
0xba: {  	s31 =	sshll.u32 s1, $0xD;
	s1 =	sshrl.u32 s1, $0x2  }
0xbb: {  	s3 =	sand.u32 $0x4000, s31;
	s1 =	sadd.s32 s1, s30  }
0xbc: {  	s0 =	sor.u32 s3, s0;
	s1 =	sshll.u32 s1, $0x11  }
0xbd: {  	s0 =	sor.u32 s1, s0  }
0xbe: {  	s0 =	sadd.s32 $0x8F2B, s0  }
0xbf: {  	[sflag:s0] =	ssyncadd.remote.s32 $0x1  }
0xc0: {  	_ =	sfence.sel $0xFFFF  }
0xc1: {  	[dreg:$0x0] =	wrdreg $0xFFFFFFFF;
	(pc) =	sbr.abs _section_cstart, $3  }
0xc2: {  	[dreg:$0x1] =	wrdreg $0xFFFFFFFF  }
0xc3: {  	_ =	task.clear_ibuf [dreg:s8], $0x2FFFF;
	_ =	strace $0x9FFFFFFF  }
0xc4: {  	(tm) =	ssettm $0x7FFFFFFF  }
0xc5: {  	_ =	shalt  }
tec
execute0_lowered:
.L_overlay_start_1:
0x0: {  	(tag) =	ssettag $0x1  }
0x1: {  	s1 =	rddreg [dreg:$0x0]  }
0x2: {  	s2 =	srdreg.scid;
	s0 =	stileid.u32  }
0x3: {  	s4 =	rddreg [dreg:$0x1];
	s6 =	sand.u32 $0x1, s2;
	s30 =	sshll.u32 s0, $0x1  }
0x4: {  	s9 =	rddreg [dreg:$0x2];
	s3 =	simm.s32 $0x0;
	s5 =	sor.u32 s6, s30  }
0x5: {  	[smem:$0x7FF] =	sst s3;
	s10 =	smul.u32 $0xC35, s5  }
0x6: {  	s7 =	simm.s32 $0x6200;
	s2 =	rddreg [dreg:$0x3];
	_ =	strace $0x80000047  }
0x7: {  	s11 =	ssub.s32 $0x2, s6;
	s5 =	sadd.s32 s4, s10;
	s4 =	simm.s32 $0x2  }
0x8: {  	[tilespmem:s3], [sflag:$0x2] =	stream.linear.gather [hbm4b:s5+s3], $0x61A8, $0x38;
	[tilespmem:$0xC400] =	vst v63  }
0x9: {  	s8 =	simm.s32 $0x1;
	s12 =	sshrl.u32 s11, $0x1;
	_ =	swait.ge [sflag:s4], $0x61A8  }
0xa: {  	s6 =	simm.s32 $0x61A8;
	s31 =	ssub.s32 s11, s12;
	[sflag:s4] =	ssyncset.done $0x0  }
0xb: {  	s9 =	sadd.s32 s10, s9;
	s10 =	smax.u32 s31, $0x1;
	[sflag:s4] =	ssyncadd.s32 $0xFFFF9E58  }
0xc: {  	[tilespmem:s7], [sflag:$0x1] =	stream.indirect.gather [hbm4b:s1+s6], $0x1, s3, s6, $0xb8;
	[tilespmem:$0xC400] =	vst v63  }
0xd: {  	p0 =	sne.s32 s10, $0x1;
	_ =	swait.ge [sflag:s8], $0x61A8  }
.Ltmp0:
0xe: {  	[sflag:s8] =	ssyncset.done $0x0;
	(pc) =	sbr.rel @!p0 .LBB2_2-.Ltmp0, $4  }
0xf: {  	s9 =	sadd.s32 $0x1A000, s9;
	[sflag:s8] =	ssyncadd.s32 $0xFFFF9E58  }
0x10: {  	[hbm4b:s9+s3] =	stream.linear.scatter [tilespmem:s7], [sflag:$0x2], $0x61A8, $0x38;
	[tilespmem:$0xC400] =	vst v63  }
0x11: {  	_ =	swait.ge [sflag:s4], $0x61A8  }
0x12: {  	s10 =	sadd.s32 $0xFFFFFFFF, s10;
	[sflag:s4] =	ssyncset.done $0x0  }
.LBB2_1:
0x13: {  	p0 =	sne.s32 s10, $0x1;
	s10 =	sadd.s32 $0xFFFFFFFF, s10;
	[sflag:s4] =	ssyncadd.s32 $0xFFFF9E58  }
0x14: {  	[tilespmem:s3], [sflag:$0x2] =	stream.linear.gather [hbm4b:s5+s3], $0x61A8, $0x38;
	[tilespmem:$0xC400] =	vst v63  }
0x15: {  	_ =	swait.ge [sflag:s4], $0x61A8  }
0x16: {  	[sflag:s4] =	ssyncset.done $0x0  }
0x17: {  	[sflag:s4] =	ssyncadd.s32 $0xFFFF9E58  }
0x18: {  	[tilespmem:s7], [sflag:$0x1] =	stream.indirect.gather [hbm4b:s1+s6], $0x1, s3, s6, $0xb8;
	[tilespmem:$0xC400] =	vst v63  }
0x19: {  	_ =	swait.ge [sflag:s8], $0x61A8  }
.Ltmp1:
0x1a: {  	[sflag:s8] =	ssyncset.done $0x0;
	(pc) =	sbr.rel @p0 .LBB2_1-.Ltmp1, $4  }
0x1b: {  	[sflag:s8] =	ssyncadd.s32 $0xFFFF9E58  }
0x1c: {  	[hbm4b:s9+s3] =	stream.linear.scatter [tilespmem:s7], [sflag:$0x2], $0x61A8, $0x38;
	[tilespmem:$0xC400] =	vst v63  }
0x1d: {  	_ =	swait.ge [sflag:s4], $0x61A8  }
0x1e: {  	[sflag:s4] =	ssyncset.done $0x0  }
.LBB2_2:
0x1f: {  	[sflag:s4] =	ssyncadd.s32 $0xFFFF9E58  }
0x20: {  	_ =	sfence.sel $0x180000  }
0x21: {  	[bflag:$0x0] =	sbarrier.arrive $0xFFFF  }
0x22: {  	p0 =	sne.s32 s0, $0x0;
	_ =	strace $0x90000047  }
0x23: {  	s0 =	sadd.s32 @!p0 $0x100000, s2;
	[bflag:$0x2] =	sbarrier.arrive $0xFFFF  }
0x24: {  	[sflag:s0] =	ssyncadd.tile.s32 @!p0 $0x1;
	_ =	shalt  }
.Lfunc_end2:
_tile_overlayer_lowered:
.L_overlay_start_2:
0x25: {  	(tag) =	ssettag $0x2  }
0x26: {  	s0 =	rddreg [dreg:$0x0];
	s2 =	stileid.u32  }
0x27: {  	s1 =	rddreg [dreg:$0x1];
	p0 =	sne.s32 s2, $0x0  }
0x28: {  	s3 =	rddreg [dreg:$0x2];
	[bflag:$0x3] =	sbarrier.arrive $0xFFFF;
	s2 =	simm.s32 @!p0 $0x1C02  }
0x29: {  	[timem:s3], [sflag:s2] =	dma.local @!p0 [hbm:s0], s1  }
0x2a: {  	s0 =	simm.s32 @!p0 $0x2  }
0x2b: {  	_ =	swait.ge @!p0 [sflag:s0], s1  }
0x2c: {  	s1 =	ssub.s32 @!p0 $0x0, s1;
	[sflag:s0] =	ssyncset.done @!p0 $0x0  }
0x2d: {  	[sflag:s0] =	ssyncadd.s32 @!p0 s1  }
0x2e: {  	[bflag:$0x3] =	sbarrier.arrive $0xFFFF  }
0x2f: {  	_ =	shalt  }

// kernel: kernel.9.cloned.1.call-start
scs
__scs_entry_jumppad:
0x0: {  	(pc) =	sbr.rel $0x88, $3  }
0x1: {  	(tag) =	ssettag $0x0;
	lr =	simm.s32 $0x1  }
0x2: {  	[smem:$0x3F9E] =	sst lr;
	_ =	strace $0xD0000000  }
0x3: {  	_ = 	snop  }
0x4: {  	_ = 	snop  }
0x5: {  	_ = 	snop  }
0x6: {  	_ = 	snop  }
0x7: {  	_ = 	snop  }
__scs_overlays_trampoline_lowered:
0x8: {  	[smem:$0x3FAD] =	sst s0  }
0x9: {  	[smem:$0x3FAE] =	sst s1  }
0xa: {  	[smem:$0x3FAF] =	sst s2  }
0xb: {  	[smem:$0x3FB0] =	sst s3  }
0xc: {  	[smem:$0x3FB1] =	sst s4  }
0xd: {  	[smem:$0x3FB2] =	sst s5  }
0xe: {  	[smem:$0x3FB3] =	sst s6  }
0xf: {  	[smem:$0x3FB4] =	sst s7  }
0x10: {  	[smem:$0x3FB5] =	sst s8  }
0x11: {  	[smem:$0x3FB6] =	sst s9;
	s0 =	simm.s32 @!p0 $0x0  }
0x12: {  	s1 =	sld [smem:$0x3F9C];
	s0 =	simm.s32 @p0 $0x1  }
0x13: {  	[smem:$0x3FB7] =	sst s0;
	s0 =	simm.s32 @!p1 $0x0  }
0x14: {  	s2 =	sld [smem:$0x3F9B];
	s0 =	simm.s32 @p1 $0x1  }
0x15: {  	[smem:$0x3FB8] =	sst s0;
	s0 =	simm.s32 @!p2 $0x0  }
0x16: {  	s3 =	sld [smem:$0x3FDB];
	s0 =	simm.s32 @p2 $0x1  }
0x17: {  	s4 =	simm.s32 $0x1BF5;
	[smem:$0x3FBA] =	sst s0  }
0x18: {  	s0 =	sld [smem:$0x3F9D];
	_ =	swait.ge [sflag:s4], $0x0  }
0x19: {  	s7 =	sld [smem:$0x3F9E]  }
0x1a: {  	s8 =	sadd.s32 $0xFFFFE003, lr  }
0x1b: {  	s9 =	sadd.s32 $0xFFFFFEF7, lr;
	s5 =	simm.s32 $0xFFFFFFFF;
	p2 =	slt.u32 s8, $0xFFFFF086  }
0x1c: {  	p1 =	slt.u32 s9, $0xF7A;
	s5 =	simm.s32 @!p2 $0x0  }
0x1d: {  	s5 =	simm.s32 @p1 $0x1;
	p0 =	seq.s32 s7, s2  }
0x1e: {  	s7 =	smul.u32 @!p0 $0xF7A, s2;
	p2 =	seq.s32 @!p0 s5, $0x0  }
0x1f: {  	s9 =	smul.u32 $0xF7A, s1;
	s8 =	simm.s32 @!p0 $0x1BF5;
	p2 =	por !p2, p0  }
0x20: {  	[sflag:s8] =	ssyncset.s32 @!p0 $0xFFFFF086;
	s6 =	sadd.s32 @!p0 s3, s7;
	s7 =	simm.s32 @!p0 $0x108  }
0x21: {  	s3 =	sadd.s32 s3, s9;
	s6 =	sadd.s32 @!p0 $0x88, s6;
	s7 =	simm.s32 @p2 $0x1082  }
0x22: {  	[simem:s7], [sflag:s8] =	dma.local @!p0 [hbm:s6], $0xF7A  }
0x23: {  	s9 =	sor.u32 $0xD0000000, s2;
	s6 =	simm.s32 $0x108;
	_ =	swait.ge @!p0 [sflag:s8], $0x0  }
0x24: {  	s3 =	sadd.s32 $0x88, s3;
	s6 =	simm.s32 @!p1 $0x1082;
	[sflag:s4] =	ssyncset.s32 $0xFFFFF086  }
0x25: {  	[simem:s6], [sflag:s4] =	dma.local [hbm:s3], $0xF7A  }
0x26: {  	[smem:$0x3F9E] =	sst s1;
	(tag) =	ssettag s2;
	_ =	strace s9  }
0x27: {  	s1 =	sld [smem:$0x3FAE]  }
0x28: {  	s2 =	sld [smem:$0x3FAF]  }
0x29: {  	s4 =	sld [smem:$0x3FB1]  }
0x2a: {  	p0 =	seq.s32 s5, $0x0;
	s5 =	sld [smem:$0x3FB2]  }
0x2b: {  	s6 =	sld [smem:$0x3FB3]  }
0x2c: {  	s7 =	sld [smem:$0x3FB4]  }
0x2d: {  	s3 =	simm.s32 $0x108;
	s8 =	sld [smem:$0x3FB5]  }
0x2e: {  	s3 =	simm.s32 @!p0 $0x1082;
	s9 =	sld [smem:$0x3FB6]  }
0x2f: {  	lr =	sadd.s32 s0, s3;
	s0 =	sld [smem:$0x3FAD]  }
0x30: {  	s3 =	sld [smem:$0x3FB0]  }
0x31: {  	[smem:$0x3FB9] =	sst s10  }
0x32: {  	s10 =	sld [smem:$0x3FB7];
	_ =	sdelay $0x3  }
0x33: {  	p0 =	seq.s32 s10, $0x1;
	s10 =	sld [smem:$0x3FB9];
	_ =	sdelay $0x3  }
0x34: {  	[smem:$0x3FB9] =	sst s10  }
0x35: {  	s10 =	sld [smem:$0x3FB8];
	_ =	sdelay $0x3  }
0x36: {  	p1 =	seq.s32 s10, $0x1;
	s10 =	sld [smem:$0x3FB9];
	_ =	sdelay $0x3  }
0x37: {  	[smem:$0x3FB9] =	sst s10  }
0x38: {  	s10 =	sld [smem:$0x3FBA]  }
0x39: {  	_ = 	snop;
	(pc) =	sbr.ind lr, $3  }
0x3a: {  	_ = 	snop  }
0x3b: {  	_ = 	snop  }
0x3c: {  	p2 =	seq.s32 s10, $0x1;
	s10 =	sld [smem:$0x3FB9]  }
0x3d: {  	_ =	shalt  }
0x3e: {  	_ =	shalt  }
0x3f: {  	_ =	shalt  }
0x40: {  	_ =	shalt  }
0x41: {  	_ =	shalt  }
0x42: {  	_ =	shalt  }
0x43: {  	_ =	shalt  }
0x44: {  	_ =	shalt  }
0x45: {  	_ =	shalt  }
0x46: {  	_ =	shalt  }
0x47: {  	_ =	shalt  }
0x48: {  	_ =	shalt  }
0x49: {  	_ =	shalt  }
0x4a: {  	_ =	shalt  }
0x4b: {  	_ =	shalt  }
0x4c: {  	_ =	shalt  }
0x4d: {  	_ =	shalt  }
0x4e: {  	_ =	shalt  }
0x4f: {  	_ =	shalt  }
0x50: {  	_ =	shalt  }
0x51: {  	_ =	shalt  }
0x52: {  	_ =	shalt  }
0x53: {  	_ =	shalt  }
0x54: {  	_ =	shalt  }
0x55: {  	_ =	shalt  }
0x56: {  	_ =	shalt  }
0x57: {  	_ =	shalt  }
0x58: {  	_ =	shalt  }
0x59: {  	_ =	shalt  }
0x5a: {  	_ =	shalt  }
0x5b: {  	_ =	shalt  }
0x5c: {  	_ =	shalt  }
0x5d: {  	_ =	shalt  }
0x5e: {  	_ =	shalt  }
0x5f: {  	_ =	shalt  }
0x60: {  	_ =	shalt  }
0x61: {  	_ =	shalt  }
0x62: {  	_ =	shalt  }
0x63: {  	_ =	shalt  }
0x64: {  	_ =	shalt  }
0x65: {  	_ =	shalt  }
0x66: {  	_ =	shalt  }
0x67: {  	_ =	shalt  }
0x68: {  	_ =	shalt  }
0x69: {  	_ =	shalt  }
0x6a: {  	_ =	shalt  }
0x6b: {  	_ =	shalt  }
0x6c: {  	_ =	shalt  }
0x6d: {  	_ =	shalt  }
0x6e: {  	_ =	shalt  }
0x6f: {  	_ =	shalt  }
0x70: {  	_ =	shalt  }
0x71: {  	_ =	shalt  }
0x72: {  	_ =	shalt  }
0x73: {  	_ =	shalt  }
0x74: {  	_ =	shalt  }
0x75: {  	_ =	shalt  }
0x76: {  	_ =	shalt  }
0x77: {  	_ =	shalt  }
0x78: {  	_ =	shalt  }
0x79: {  	_ =	shalt  }
0x7a: {  	_ =	shalt  }
0x7b: {  	_ =	shalt  }
0x7c: {  	_ =	shalt  }
0x7d: {  	_ =	shalt  }
0x7e: {  	_ =	shalt  }
0x7f: {  	_ =	shalt  }
0x80: {  	_ =	shalt  }
0x81: {  	_ =	shalt  }
0x82: {  	_ =	shalt  }
0x83: {  	_ =	shalt  }
0x84: {  	_ =	shalt  }
0x85: {  	_ =	shalt  }
0x86: {  	_ =	shalt  }
0x87: {  	_ =	shalt  }
.Lfunc_end0:
.L_simem_size_0:
called_computation.1_lowered:
.L_overlay_start_0:
0x88: {  	s2 =	sld [smem:$0x3FD9]  }
0x89: {  	s3 =	sld [smem:$0x3FFE];
	_ =	sdelay $0x1  }
0x8a: {  	s1 =	srdreg.scid  }
0x8b: {  	s0 =	sand.u32 $0x1, s1  }
0x8c: {  	s17 =	sshll.u32 s0, $0xA;
	s2 =	sadd.s32 s3, s2  }
0x8d: {  	s2 =	sadd.s32 s2, s17  }
0x8e: {  	[smem:$0x3FC5] =	sst s2  }
0x8f: {  	_ = 	snop  }
0x90: {  	s18 =	sld [smem:$0x3FC9];
	(tm) =	ssettm $0x1  }
0x91: {  	s19 =	sld [smem:$0x3FFB];
	_ =	sdelay $0x3  }
0x92: {  	_ =	strace s19  }
0x93: {  	s2 =	sld [smem:$0x3FFC];
	_ =	sdelay $0x3  }
0x94: {  	_ =	strace s2  }
0x95: {  	s2 =	sld [smem:$0x3FFD];
	_ =	sdelay $0x3  }
0x96: {  	_ =	strace s2  }
0x97: {  	_ =	strace $0x8FFFFFFF  }
0x98: {  	s20 =	sld [smem:$0x3FDB];
	_ =	sdelay $0x1  }
0x99: {  	s4 =	simm.s32 $_scs_section_size  }
0x9a: {  	s5 =	simm.s32 $_size__tile_overlayer_lowered;
	s6 =	simm.s32 $_tile_overlayer_lowered  }
0x9b: {  	s7 =	simm.s32 $0x1BFF;
	s21 =	sshll.u32 s6, $0x1;
	s4 =	sadd.s32 s4, s20  }
0x9c: {  	s22 =	simm.s32 $0x0;
	s5 =	sshll.u32 s5, $0x1;
	s6 =	sadd.s32 s21, s4  }
0x9d: {  	[timem:s22], [sflag:s7] =	dma.local [hbm:s6], s5  }
0x9e: {  	_ =	swait.ge [sflag:s7], s5  }
0x9f: {  	s5 =	ssub.s32 $0x0, s5;
	[sflag:s7] =	ssyncset.done $0x0  }
0xa0: {  	[sflag:s7] =	ssyncadd.s32 s5;
	_ =	sdelay $0x1  }
0xa1: {  	s23 =	simm.s32 $0x1B8B  }
0xa2: {  	_ =	swait.ge [sflag:s23], $0x1  }
0xa3: {  	[sflag:s23] =	ssyncset.done $0x0  }
0xa4: {  	[sflag:s23] =	ssyncadd.s32 $0xFFFFFFFF  }
0xa5: {  	s5 =	sld [smem:$0x0]  }
0xa6: {  	s6 =	sand.u32 $0xFFFFFFFE, s1  }
0xa7: {  	p0 =	sne.s32 s1, s6  }
0xa8: {  	s6 =	sshll.u32 @p0 s6, $0xE  }
0xa9: {  	s6 =	sadd.s32 @p0 $0x11B8D, s6;
	s7 =	sshll.u32 @p0 s5, $0x11  }
0xaa: {  	s6 =	sor.u32 @p0 s7, s6  }
0xab: {  	[sflag:s6] =	ssyncadd.remote.s32 @p0 $0x1;
	_ =	sdelay $0x1  }
0xac: {  	s6 =	simm.s32 @p0 $0x1B8D  }
0xad: {  	_ =	swait.eq @p0 [sflag:s6], $0x1  }
0xae: {  	[sflag:s6] =	ssyncadd.s32 @p0 $0xFFFFFFFF  }
0xaf: {  	s7 =	sshll.u32 @!p0 s1, $0xE  }
0xb0: {  	s7 =	sor.u32 @!p0 $0x4000, s7;
	s6 =	simm.s32 @!p0 $0x1B8D  }
0xb1: {  	s5 =	sshll.u32 @!p0 s5, $0x11;
	s7 =	sadd.s32 @!p0 $0x11B8D, s7;
	_ =	swait.eq @!p0 [sflag:s6], $0x1  }
0xb2: {  	s5 =	sor.u32 @!p0 s5, s7;
	[sflag:s6] =	ssyncadd.s32 @!p0 $0xFFFFFFFF  }
0xb3: {  	s25 =	simm.s32 $0x1B8E;
	s24 =	sld [smem:$0x3FFE];
	[sflag:s5] =	ssyncadd.remote.s32 @!p0 $0x1  }
0xb4: {  	s26 =	simm.s32 $execute0_lowered;
	[smem:$0x3FD2] =	sst s25  }
0xb5: {  	s6 =	sshll.u32 s26, $0x1;
	_ =	strace $0x80000049;
	[dreg:$0x1] =	wrdreg $0xFFFFFFFF  }
0xb6: {  	s28 =	simm.s32 $_size_execute0_lowered;
	s4 =	sadd.s32 s4, s6;
	[dreg:$0x0] =	wrdreg $0x0  }
0xb7: {  	s6 =	sshll.u32 s28, $0x1;
	[dreg:$0x2] =	wrdreg s4  }
0xb8: {  	[dreg:$0x3] =	wrdreg s6  }
0xb9: {  	[dreg:$0x4] =	wrdreg $0xC0  }
0xba: {  	_ =	task [dreg:s22], $0x5FFFF  }
0xbb: {  	[dreg:$0x1] =	wrdreg $0xFFFFFFFF  }
0xbc: {  	[dreg:$0x0] =	wrdreg $0x60  }
0xbd: {  	[dreg:$0x2] =	wrdreg s18  }
0xbe: {  	[dreg:$0x3] =	wrdreg s24  }
0xbf: {  	[dreg:$0x4] =	wrdreg $0xA  }
0xc0: {  	_ =	task.clear_ibuf [dreg:s22], $0x5FFFF;
	_ =	strace $0x90000049  }
0xc1: {  	s29 =	simm.s32 $0xA;
	_ =	strace $0x8000004B  }
0xc2: {  	_ =	swait.ge [sflag:s29], $0x1  }
0xc3: {  	[sflag:s29] =	ssyncadd.s32 $0xFFFFFFFF  }
0xc4: {  	_ =	strace $0x9000004B  }
0xc5: {  	_ =	sfence  }
0xc6: {  	s30 =	sld [smem:$0x0];
	_ =	sdelay $0x2  }
0xc7: {  	s31 =	sshll.u32 s1, $0xD;
	s1 =	sshrl.u32 s1, $0x2  }
0xc8: {  	s4 =	sand.u32 $0x4000, s31;
	s1 =	sadd.s32 s1, s30  }
0xc9: {  	s0 =	sor.u32 s4, s0;
	s1 =	sshll.u32 s1, $0x11  }
0xca: {  	s0 =	sor.u32 s1, s0  }
0xcb: {  	s0 =	sadd.s32 $0x8F2B, s0  }
0xcc: {  	[sflag:s0] =	ssyncadd.remote.s32 $0x1  }
0xcd: {  	_ =	sfence.sel $0xFFFF  }
0xce: {  	[dreg:$0x0] =	wrdreg $0xFFFFFFFF;
	(pc) =	sbr.abs _section_cstart, $3  }
0xcf: {  	[dreg:$0x1] =	wrdreg $0xFFFFFFFF  }
0xd0: {  	_ =	task.clear_ibuf [dreg:s22], $0x2FFFF;
	_ =	strace $0x9FFFFFFF  }
0xd1: {  	(tm) =	ssettm $0x7FFFFFFF  }
tec
execute0_lowered:
.L_overlay_start_1:
0x0: {  	(tag) =	ssettag $0x1  }
0x1: {  	s1 =	srdreg.scid;
	s0 =	stileid.u32  }
0x2: {  	s6 =	sand.u32 $0x1, s1;
	s31 =	sshll.u32 s0, $0x1  }
0x3: {  	s2 =	rddreg [dreg:$0x0];
	s1 =	sor.u32 s6, s31  }
0x4: {  	s4 =	rddreg [dreg:$0x1];
	s3 =	simm.s32 $0x0;
	s5 =	smul.u32 $0xC35, s1  }
0x5: {  	[smem:$0x7FF] =	sst s3  }
0x6: {  	s10 =	ssub.s32 $0x2, s6;
	s1 =	rddreg [dreg:$0x2];
	s9 =	sadd.s32 s5, s4  }
0x7: {  	_ =	strace $0x8000004A;
	s4 =	simm.s32 $0x2;
	s5 =	sadd.s32 $0x1800, s9  }
0x8: {  	[tilespmem:s3], [sflag:$0x2] =	stream.linear.gather [hbm4b:s5+s3], $0x61A8, $0x38;
	[tilespmem:$0xC400] =	vst v63  }
0x9: {  	s7 =	simm.s32 $0x6200;
	s11 =	sshrl.u32 s10, $0x1;
	_ =	swait.ge [sflag:s4], $0x61A8  }
0xa: {  	s8 =	simm.s32 $0x1;
	s10 =	ssub.s32 s10, s11;
	[sflag:s4] =	ssyncset.done $0x0  }
0xb: {  	s6 =	simm.s32 $0x61A8;
	s10 =	smax.u32 s10, $0x1;
	[sflag:s4] =	ssyncadd.s32 $0xFFFF9E58  }
0xc: {  	[tilespmem:s7], [sflag:$0x1] =	stream.indirect.gather [hbm4b:s2+s6], $0x1, s3, s6, $0xb8;
	[tilespmem:$0xC400] =	vst v63  }
0xd: {  	p0 =	sne.s32 s10, $0x1;
	_ =	swait.ge [sflag:s8], $0x61A8  }
.Ltmp0:
0xe: {  	[sflag:s8] =	ssyncset.done $0x0;
	(pc) =	sbr.rel @!p0 .LBB2_2-.Ltmp0, $4  }
0xf: {  	s9 =	sadd.s32 $0x32800, s9;
	[sflag:s8] =	ssyncadd.s32 $0xFFFF9E58  }
0x10: {  	[hbm4b:s9+s3] =	stream.linear.scatter [tilespmem:s7], [sflag:$0x2], $0x61A8, $0x38;
	[tilespmem:$0xC400] =	vst v63  }
0x11: {  	_ =	swait.ge [sflag:s4], $0x61A8  }
0x12: {  	s10 =	sadd.s32 $0xFFFFFFFF, s10;
	[sflag:s4] =	ssyncset.done $0x0  }
.LBB2_1:
0x13: {  	p0 =	sne.s32 s10, $0x1;
	s10 =	sadd.s32 $0xFFFFFFFF, s10;
	[sflag:s4] =	ssyncadd.s32 $0xFFFF9E58  }
0x14: {  	[tilespmem:s3], [sflag:$0x2] =	stream.linear.gather [hbm4b:s5+s3], $0x61A8, $0x38;
	[tilespmem:$0xC400] =	vst v63  }
0x15: {  	_ =	swait.ge [sflag:s4], $0x61A8  }
0x16: {  	[sflag:s4] =	ssyncset.done $0x0  }
0x17: {  	[sflag:s4] =	ssyncadd.s32 $0xFFFF9E58  }
0x18: {  	[tilespmem:s7], [sflag:$0x1] =	stream.indirect.gather [hbm4b:s2+s6], $0x1, s3, s6, $0xb8;
	[tilespmem:$0xC400] =	vst v63  }
0x19: {  	_ =	swait.ge [sflag:s8], $0x61A8  }
.Ltmp1:
0x1a: {  	[sflag:s8] =	ssyncset.done $0x0;
	(pc) =	sbr.rel @p0 .LBB2_1-.Ltmp1, $4  }
0x1b: {  	[sflag:s8] =	ssyncadd.s32 $0xFFFF9E58  }
0x1c: {  	[hbm4b:s9+s3] =	stream.linear.scatter [tilespmem:s7], [sflag:$0x2], $0x61A8, $0x38;
	[tilespmem:$0xC400] =	vst v63  }
0x1d: {  	_ =	swait.ge [sflag:s4], $0x61A8  }
0x1e: {  	[sflag:s4] =	ssyncset.done $0x0  }
.LBB2_2:
0x1f: {  	[sflag:s4] =	ssyncadd.s32 $0xFFFF9E58  }
0x20: {  	_ =	sfence.sel $0x180000  }
0x21: {  	[bflag:$0x0] =	sbarrier.arrive $0xFFFF  }
0x22: {  	p0 =	sne.s32 s0, $0x0;
	_ =	strace $0x9000004A  }
0x23: {  	s0 =	sadd.s32 @!p0 $0x100000, s1;
	[bflag:$0x2] =	sbarrier.arrive $0xFFFF  }
0x24: {  	[sflag:s0] =	ssyncadd.tile.s32 @!p0 $0x1;
	_ =	shalt  }
.Lfunc_end2:
_tile_overlayer_lowered:
.L_overlay_start_2:
0x25: {  	(tag) =	ssettag $0x2  }
0x26: {  	s0 =	rddreg [dreg:$0x0];
	s2 =	stileid.u32  }
0x27: {  	s1 =	rddreg [dreg:$0x1];
	p0 =	sne.s32 s2, $0x0  }
0x28: {  	s3 =	rddreg [dreg:$0x2];
	[bflag:$0x3] =	sbarrier.arrive $0xFFFF;
	s2 =	simm.s32 @!p0 $0x1C02  }
0x29: {  	[timem:s3], [sflag:s2] =	dma.local @!p0 [hbm:s0], s1  }
0x2a: {  	s0 =	simm.s32 @!p0 $0x2  }
0x2b: {  	_ =	swait.ge @!p0 [sflag:s0], s1  }
0x2c: {  	s1 =	ssub.s32 @!p0 $0x0, s1;
	[sflag:s0] =	ssyncset.done @!p0 $0x0  }
0x2d: {  	[sflag:s0] =	ssyncadd.s32 @!p0 s1  }
0x2e: {  	[bflag:$0x3] =	sbarrier.arrive $0xFFFF  }
0x2f: {  	_ =	shalt  }

</sc_bundles>
